<compile_context>
chip_gen: v7x
topology: tpu7x:2x2x1
jax: 0.10.2.dev20260603
libtpu: 0.0.44.dev20260713+nightly
codegen_flags: <defaults>
</compile_context>

<pallas_src>
import jax
import jax.numpy as jnp
from jax import lax
from jax.experimental import pallas as pl
from jax.experimental.pallas import tpu as pltpu
from jax.experimental.pallas import tpu_sc as plsc

DIM = 64
SEQ = 77
BATCH = 16384

NC = 2
NS = 16
NW = NC * NS
LANES = 16

BT = BATCH // 128
PADR = 133
BLOCKS = SEQ * BT
B_PER_W = BLOCKS // NW
NSTEP = B_PER_W // 2


def _sc_body(x_hbm, table_hbm, pos_hbm, out_hbm,
             pos_v, i0, i1, r0, r1, b0, b1,
             gather_sem, idx_sem, osem0, osem1):
    wid = lax.axis_index("s") * NC + lax.axis_index("c")
    g_base = wid * B_PER_W

    pltpu.sync_copy(pos_hbm, pos_v)

    lane = lax.iota(jnp.int32, 16)
    dts = [(lane // 8) + 2 * j for j in range(DIM // LANES)]
    dss = lane % 8
    zero = lane * 0

    def fetch_idx(g, idx_v):
        s = g // BT
        bt = g - s * BT
        return pltpu.async_copy(
            x_hbm.at[s, pl.ds(bt * 128, 128)], idx_v, idx_sem)

    def wait_idx(idx_v):
        pltpu.make_async_copy(x_hbm.at[0, pl.ds(0, 128)], idx_v,
                              idx_sem).wait()

    def start_gather(idx_v, rows_v):
        pltpu.async_copy(table_hbm.at[idx_v], rows_v, gather_sem)

    def wait_gather(rows_v):
        pltpu.make_async_copy(table_hbm.at[pl.ds(0, 128)], rows_v,
                              gather_sem).wait()

    def compute(g, rows_v, blk_v):
        s = g // BT
        p = [pos_v[s, pl.ds(j * LANES, LANES)] for j in range(DIM // LANES)]

        @plsc.parallel_loop(0, 128, 1, unroll=4)
        def row_body(r):
            rvec = zero + r
            for j in range(DIM // LANES):
                v = rows_v[r, pl.ds(j * LANES, LANES)] + p[j]
                plsc.store_scatter(blk_v, [dts[j], dss, rvec], v)

    def start_out(g, blk_v, osem):
        s = g // BT
        bt = g - s * BT
        pltpu.async_copy(blk_v.at[:, :, pl.ds(0, 128)],
                         out_hbm.at[s, :, bt], osem)

    def wait_out(blk_v, osem):
        pltpu.make_async_copy(blk_v.at[:, :, pl.ds(0, 128)],
                              out_hbm.at[0, :, 0], osem).wait()

    fetch_idx(g_base, i0).wait()
    start_gather(i0, r0)
    fetch_idx(g_base + 1, i1)

    def step_body(i, _):
        ga = g_base + 2 * i
        gb = ga + 1

        wait_gather(r0)
        wait_idx(i1)
        start_gather(i1, r1)

        @pl.when(i < NSTEP - 1)
        def _():
            fetch_idx(ga + 2, i0)

        @pl.when(i >= 1)
        def _():
            wait_out(b0, osem0)
        compute(ga, r0, b0)
        start_out(ga, b0, osem0)

        wait_gather(r1)

        @pl.when(i < NSTEP - 1)
        def _():
            wait_idx(i0)
            start_gather(i0, r0)
            fetch_idx(gb + 2, i1)

        @pl.when(i >= 1)
        def _():
            wait_out(b1, osem1)
        compute(gb, r1, b1)
        start_out(gb, b1, osem1)
        return 0

    lax.fori_loop(0, NSTEP, step_body, 0)

    wait_out(b0, osem0)
    wait_out(b1, osem1)


@jax.jit
def kernel(x, token_table, position_embedding):
    batch, seq = x.shape
    xT = x.T.astype(jnp.int32)
    pos = position_embedding.reshape(position_embedding.shape[1], DIM)

    run = pl.kernel(
        _sc_body,
        out_type=jax.ShapeDtypeStruct((seq, DIM // 8, batch // 128, 8, 128),
                                      jnp.float32),
        mesh=plsc.VectorSubcoreMesh(
            core_axis_name="c", subcore_axis_name="s",
            num_cores=NC, num_subcores=NS),
        compiler_params=pltpu.CompilerParams(use_tc_tiling_on_sc=False,
                                             needs_layout_passes=False),
        scratch_types=[
            pltpu.VMEM((seq, DIM), jnp.float32),
            pltpu.VMEM((128,), jnp.int32),
            pltpu.VMEM((128,), jnp.int32),
            pltpu.VMEM((128, DIM), jnp.float32),
            pltpu.VMEM((128, DIM), jnp.float32),
            pltpu.VMEM((DIM // 8, 8, PADR), jnp.float32),
            pltpu.VMEM((DIM // 8, 8, PADR), jnp.float32),
            pltpu.SemaphoreType.DMA,
            pltpu.SemaphoreType.DMA,
            pltpu.SemaphoreType.DMA,
            pltpu.SemaphoreType.DMA,
        ],
    )
    out5 = run(xT, token_table, pos)
    return out5.transpose(2, 4, 0, 1, 3).reshape(batch, seq, DIM)

# --- scband reference (transcript-rebuilt; emitter-appended) ---
"""Pipeline reference for scband-text-encoder-4080218931443 (READ-ONLY COPY).

The authoritative reference and input builder live on the scoring server;
editing this copy changes nothing except your own understanding.
"""

import jax, jax.numpy as jnp
import numpy as np

VOCAB = 1000000
DIM = 64
MAX_LEN = 77
BATCH = 16384
SEQ = 77

def setup_inputs(seed: int = 0) -> dict:
    key = jax.random.key(seed)
    k_x, k_tab, k_pos = jax.random.split(key, 3)
    x = jax.random.randint(k_x, (BATCH, SEQ), 0, VOCAB, dtype=jnp.int64 if jax.config.jax_enable_x64 else jnp.int32)
    token_table = jax.random.normal(k_tab, (VOCAB, DIM), dtype=jnp.float32)
    position_embedding = jax.random.normal(k_pos, (1, MAX_LEN, DIM), dtype=jnp.float32)
    return {"x": x, "token_table": token_table, "position_embedding": position_embedding}

def reference(x, token_table, position_embedding):
    batch_size, seq_len = x.shape
    token_emb = jnp.take(token_table, x, axis=0)  # [B, S, D] embedding gather
    position_emb = position_embedding[:, :seq_len, :]  # [1, S, D]
    out = token_emb + position_emb
    return out

if __name__ == "__main__":
    import jax
    _d = setup_inputs()
    print(jax.jit(kernel)(*tuple(_d.values())))

</pallas_src>

<mosaic_0001>
#map = affine_map<(d0, d1) -> (0, 0)>
#map1 = affine_map<(d0, d1) -> (0, 0, 0, 0, 0)>
module attributes {stable_mosaic.version = 14 : i64} {
  func.func @_sc_body(%arg0: i32, %arg1: i32, %arg2: memref<77x16384xi32, #tpu.memory_space<hbm>>, %arg3: memref<1000000x64xf32, #tpu.memory_space<hbm>>, %arg4: memref<77x64xf32, #tpu.memory_space<hbm>>, %arg5: memref<77x8x128x8x128xf32, #tpu.memory_space<hbm>>, %arg6: memref<77x64xf32, #tpu.memory_space<vmem>>, %arg7: memref<128xi32, #tpu.memory_space<vmem>>, %arg8: memref<128xi32, #tpu.memory_space<vmem>>, %arg9: memref<128x64xf32, #tpu.memory_space<vmem>>, %arg10: memref<128x64xf32, #tpu.memory_space<vmem>>, %arg11: memref<8x8x133xf32, #tpu.memory_space<vmem>>, %arg12: memref<8x8x133xf32, #tpu.memory_space<vmem>>, %arg13: memref<!tpu.dma_semaphore, #tpu.memory_space<semaphore_mem>>, %arg14: memref<!tpu.dma_semaphore, #tpu.memory_space<semaphore_mem>>, %arg15: memref<!tpu.dma_semaphore, #tpu.memory_space<semaphore_mem>>, %arg16: memref<!tpu.dma_semaphore, #tpu.memory_space<semaphore_mem>>) attributes {dimension_semantics = [#tpu.dimension_semantics<core_parallel>, #tpu.dimension_semantics<subcore_parallel>], iteration_bounds = array<i64: 2, 16>, scalar_prefetch = 0 : i64, scratch_operands = 11 : i64, tpu.core_type = #tpu.core_type<sc_vector_subcore>, window_params = [{transform_indices = #map}, {transform_indices = #map}, {transform_indices = #map}, {transform_indices = #map1}]} {
    %mul3A = arith.constant 2 : i32
    %mul3A_0 = arith.muli %arg1, %mul3A : i32
    %add3A = arith.addi %mul3A_0, %arg0 : i32
    %mul3A_1 = arith.constant 308 : i32
    %mul3A_2 = arith.muli %add3A, %mul3A_1 : i32
    "tpu.region"() ({
      %run_scoped3A = tpu.sem_alloc : memref<!tpu.dma_semaphore, #tpu.memory_space<semaphore_mem>>
      tpu.enqueue_dma source(%arg4 : memref<77x64xf32, #tpu.memory_space<hbm>>) target(%arg6 : memref<77x64xf32, #tpu.memory_space<vmem>>) target_semaphore(%run_scoped3A : memref<!tpu.dma_semaphore, #tpu.memory_space<semaphore_mem>>)
      tpu.wait_dma2 semaphore(%run_scoped3A : memref<!tpu.dma_semaphore, #tpu.memory_space<semaphore_mem>>) src(%arg4 : memref<77x64xf32, #tpu.memory_space<hbm>>) dst(%arg6 : memref<77x64xf32, #tpu.memory_space<vmem>>)
      tpu.yield
    }) : () -> ()
    %iota3A = tpu.iota {dimensions = array<i32: 0>} : vector<16xi32>
    %jit3A = arith.constant 8 : i32
    %div3A = vector.broadcast %jit3A : i32 to vector<16xi32>
    %div3A_3 = arith.divsi %iota3A, %div3A : vector<16xi32>
    %sign3A = arith.constant 0 : i32
    %sign3A_4 = vector.broadcast %sign3A : i32 to vector<16xi32>
    %sign3A_5 = arith.cmpi sgt, %iota3A, %sign3A_4 : vector<16xi32>
    %sign3A_6 = arith.extui %sign3A_5 : vector<16xi1> to vector<16xi32>
    %sign3A_7 = arith.constant 0 : i32
    %sign3A_8 = vector.broadcast %sign3A_7 : i32 to vector<16xi32>
    %sign3A_9 = arith.cmpi slt, %iota3A, %sign3A_8 : vector<16xi32>
    %sign3A_10 = arith.extui %sign3A_9 : vector<16xi1> to vector<16xi32>
    %sign3A_11 = arith.subi %sign3A_6, %sign3A_10 : vector<16xi32>
    %sign3A_12 = arith.constant 0 : i32
    %sign3A_13 = arith.cmpi sgt, %jit3A, %sign3A_12 : i32
    %sign3A_14 = arith.extui %sign3A_13 : i1 to i32
    %sign3A_15 = arith.constant 0 : i32
    %sign3A_16 = arith.cmpi slt, %jit3A, %sign3A_15 : i32
    %sign3A_17 = arith.extui %sign3A_16 : i1 to i32
    %sign3A_18 = arith.subi %sign3A_14, %sign3A_17 : i32
    %ne3A = vector.broadcast %sign3A_18 : i32 to vector<16xi32>
    %ne3A_19 = arith.cmpi ne, %sign3A_11, %ne3A : vector<16xi32>
    %rem3A = vector.broadcast %jit3A : i32 to vector<16xi32>
    %rem3A_20 = arith.remsi %iota3A, %rem3A : vector<16xi32>
    %ne3A_21 = arith.constant 0 : i32
    %ne3A_22 = vector.broadcast %ne3A_21 : i32 to vector<16xi32>
    %ne3A_23 = arith.cmpi ne, %rem3A_20, %ne3A_22 : vector<16xi32>
    %and3A = arith.andi %ne3A_19, %ne3A_23 : vector<16xi1>
    %sub3A = arith.constant 1 : i32
    %sub3A_24 = vector.broadcast %sub3A : i32 to vector<16xi32>
    %sub3A_25 = arith.subi %div3A_3, %sub3A_24 : vector<16xi32>
    %select_n3A = arith.select %and3A, %sub3A_25, %div3A_3 : vector<16xi1>, vector<16xi32>
    %add3A_26 = arith.constant 0 : i32
    %add3A_27 = vector.broadcast %add3A_26 : i32 to vector<16xi32>
    %add3A_28 = arith.addi %select_n3A, %add3A_27 : vector<16xi32>
    %jit3A_29 = arith.constant 8 : i32
    %div3A_30 = vector.broadcast %jit3A_29 : i32 to vector<16xi32>
    %div3A_31 = arith.divsi %iota3A, %div3A_30 : vector<16xi32>
    %sign3A_32 = arith.constant 0 : i32
    %sign3A_33 = vector.broadcast %sign3A_32 : i32 to vector<16xi32>
    %sign3A_34 = arith.cmpi sgt, %iota3A, %sign3A_33 : vector<16xi32>
    %sign3A_35 = arith.extui %sign3A_34 : vector<16xi1> to vector<16xi32>
    %sign3A_36 = arith.constant 0 : i32
    %sign3A_37 = vector.broadcast %sign3A_36 : i32 to vector<16xi32>
    %sign3A_38 = arith.cmpi slt, %iota3A, %sign3A_37 : vector<16xi32>
    %sign3A_39 = arith.extui %sign3A_38 : vector<16xi1> to vector<16xi32>
    %sign3A_40 = arith.subi %sign3A_35, %sign3A_39 : vector<16xi32>
    %sign3A_41 = arith.constant 0 : i32
    %sign3A_42 = arith.cmpi sgt, %jit3A_29, %sign3A_41 : i32
    %sign3A_43 = arith.extui %sign3A_42 : i1 to i32
    %sign3A_44 = arith.constant 0 : i32
    %sign3A_45 = arith.cmpi slt, %jit3A_29, %sign3A_44 : i32
    %sign3A_46 = arith.extui %sign3A_45 : i1 to i32
    %sign3A_47 = arith.subi %sign3A_43, %sign3A_46 : i32
    %ne3A_48 = vector.broadcast %sign3A_47 : i32 to vector<16xi32>
    %ne3A_49 = arith.cmpi ne, %sign3A_40, %ne3A_48 : vector<16xi32>
    %rem3A_50 = vector.broadcast %jit3A_29 : i32 to vector<16xi32>
    %rem3A_51 = arith.remsi %iota3A, %rem3A_50 : vector<16xi32>
    %ne3A_52 = arith.constant 0 : i32
    %ne3A_53 = vector.broadcast %ne3A_52 : i32 to vector<16xi32>
    %ne3A_54 = arith.cmpi ne, %rem3A_51, %ne3A_53 : vector<16xi32>
    %and3A_55 = arith.andi %ne3A_49, %ne3A_54 : vector<16xi1>
    %sub3A_56 = arith.constant 1 : i32
    %sub3A_57 = vector.broadcast %sub3A_56 : i32 to vector<16xi32>
    %sub3A_58 = arith.subi %div3A_31, %sub3A_57 : vector<16xi32>
    %select_n3A_59 = arith.select %and3A_55, %sub3A_58, %div3A_31 : vector<16xi1>, vector<16xi32>
    %add3A_60 = arith.constant 2 : i32
    %add3A_61 = vector.broadcast %add3A_60 : i32 to vector<16xi32>
    %add3A_62 = arith.addi %select_n3A_59, %add3A_61 : vector<16xi32>
    %jit3A_63 = arith.constant 8 : i32
    %div3A_64 = vector.broadcast %jit3A_63 : i32 to vector<16xi32>
    %div3A_65 = arith.divsi %iota3A, %div3A_64 : vector<16xi32>
    %sign3A_66 = arith.constant 0 : i32
    %sign3A_67 = vector.broadcast %sign3A_66 : i32 to vector<16xi32>
    %sign3A_68 = arith.cmpi sgt, %iota3A, %sign3A_67 : vector<16xi32>
    %sign3A_69 = arith.extui %sign3A_68 : vector<16xi1> to vector<16xi32>
    %sign3A_70 = arith.constant 0 : i32
    %sign3A_71 = vector.broadcast %sign3A_70 : i32 to vector<16xi32>
    %sign3A_72 = arith.cmpi slt, %iota3A, %sign3A_71 : vector<16xi32>
    %sign3A_73 = arith.extui %sign3A_72 : vector<16xi1> to vector<16xi32>
    %sign3A_74 = arith.subi %sign3A_69, %sign3A_73 : vector<16xi32>
    %sign3A_75 = arith.constant 0 : i32
    %sign3A_76 = arith.cmpi sgt, %jit3A_63, %sign3A_75 : i32
    %sign3A_77 = arith.extui %sign3A_76 : i1 to i32
    %sign3A_78 = arith.constant 0 : i32
    %sign3A_79 = arith.cmpi slt, %jit3A_63, %sign3A_78 : i32
    %sign3A_80 = arith.extui %sign3A_79 : i1 to i32
    %sign3A_81 = arith.subi %sign3A_77, %sign3A_80 : i32
    %ne3A_82 = vector.broadcast %sign3A_81 : i32 to vector<16xi32>
    %ne3A_83 = arith.cmpi ne, %sign3A_74, %ne3A_82 : vector<16xi32>
    %rem3A_84 = vector.broadcast %jit3A_63 : i32 to vector<16xi32>
    %rem3A_85 = arith.remsi %iota3A, %rem3A_84 : vector<16xi32>
    %ne3A_86 = arith.constant 0 : i32
    %ne3A_87 = vector.broadcast %ne3A_86 : i32 to vector<16xi32>
    %ne3A_88 = arith.cmpi ne, %rem3A_85, %ne3A_87 : vector<16xi32>
    %and3A_89 = arith.andi %ne3A_83, %ne3A_88 : vector<16xi1>
    %sub3A_90 = arith.constant 1 : i32
    %sub3A_91 = vector.broadcast %sub3A_90 : i32 to vector<16xi32>
    %sub3A_92 = arith.subi %div3A_65, %sub3A_91 : vector<16xi32>
    %select_n3A_93 = arith.select %and3A_89, %sub3A_92, %div3A_65 : vector<16xi1>, vector<16xi32>
    %add3A_94 = arith.constant 4 : i32
    %add3A_95 = vector.broadcast %add3A_94 : i32 to vector<16xi32>
    %add3A_96 = arith.addi %select_n3A_93, %add3A_95 : vector<16xi32>
    %jit3A_97 = arith.constant 8 : i32
    %div3A_98 = vector.broadcast %jit3A_97 : i32 to vector<16xi32>
    %div3A_99 = arith.divsi %iota3A, %div3A_98 : vector<16xi32>
    %sign3A_100 = arith.constant 0 : i32
    %sign3A_101 = vector.broadcast %sign3A_100 : i32 to vector<16xi32>
    %sign3A_102 = arith.cmpi sgt, %iota3A, %sign3A_101 : vector<16xi32>
    %sign3A_103 = arith.extui %sign3A_102 : vector<16xi1> to vector<16xi32>
    %sign3A_104 = arith.constant 0 : i32
    %sign3A_105 = vector.broadcast %sign3A_104 : i32 to vector<16xi32>
    %sign3A_106 = arith.cmpi slt, %iota3A, %sign3A_105 : vector<16xi32>
    %sign3A_107 = arith.extui %sign3A_106 : vector<16xi1> to vector<16xi32>
    %sign3A_108 = arith.subi %sign3A_103, %sign3A_107 : vector<16xi32>
    %sign3A_109 = arith.constant 0 : i32
    %sign3A_110 = arith.cmpi sgt, %jit3A_97, %sign3A_109 : i32
    %sign3A_111 = arith.extui %sign3A_110 : i1 to i32
    %sign3A_112 = arith.constant 0 : i32
    %sign3A_113 = arith.cmpi slt, %jit3A_97, %sign3A_112 : i32
    %sign3A_114 = arith.extui %sign3A_113 : i1 to i32
    %sign3A_115 = arith.subi %sign3A_111, %sign3A_114 : i32
    %ne3A_116 = vector.broadcast %sign3A_115 : i32 to vector<16xi32>
    %ne3A_117 = arith.cmpi ne, %sign3A_108, %ne3A_116 : vector<16xi32>
    %rem3A_118 = vector.broadcast %jit3A_97 : i32 to vector<16xi32>
    %rem3A_119 = arith.remsi %iota3A, %rem3A_118 : vector<16xi32>
    %ne3A_120 = arith.constant 0 : i32
    %ne3A_121 = vector.broadcast %ne3A_120 : i32 to vector<16xi32>
    %ne3A_122 = arith.cmpi ne, %rem3A_119, %ne3A_121 : vector<16xi32>
    %and3A_123 = arith.andi %ne3A_117, %ne3A_122 : vector<16xi1>
    %sub3A_124 = arith.constant 1 : i32
    %sub3A_125 = vector.broadcast %sub3A_124 : i32 to vector<16xi32>
    %sub3A_126 = arith.subi %div3A_99, %sub3A_125 : vector<16xi32>
    %select_n3A_127 = arith.select %and3A_123, %sub3A_126, %div3A_99 : vector<16xi1>, vector<16xi32>
    %add3A_128 = arith.constant 6 : i32
    %add3A_129 = vector.broadcast %add3A_128 : i32 to vector<16xi32>
    %add3A_130 = arith.addi %select_n3A_127, %add3A_129 : vector<16xi32>
    %jit3A_131 = arith.constant 8 : i32
    %eq3A = arith.constant 0 : i32
    %eq3A_132 = arith.cmpi eq, %jit3A_131, %eq3A : i32
    %jit3A_133 = arith.constant 1 : i32
    %select_n3A_134 = arith.select %eq3A_132, %jit3A_133, %jit3A_131 : i32
    %rem3A_135 = vector.broadcast %select_n3A_134 : i32 to vector<16xi32>
    %rem3A_136 = arith.remsi %iota3A, %rem3A_135 : vector<16xi32>
    %ne3A_137 = arith.constant 0 : i32
    %ne3A_138 = vector.broadcast %ne3A_137 : i32 to vector<16xi32>
    %ne3A_139 = arith.cmpi ne, %rem3A_136, %ne3A_138 : vector<16xi32>
    %lt3A = arith.constant 0 : i32
    %lt3A_140 = vector.broadcast %lt3A : i32 to vector<16xi32>
    %lt3A_141 = arith.cmpi slt, %rem3A_136, %lt3A_140 : vector<16xi32>
    %lt3A_142 = arith.constant 0 : i32
    %lt3A_143 = arith.cmpi slt, %select_n3A_134, %lt3A_142 : i32
    %ne3A_144 = vector.broadcast %lt3A_143 : i1 to vector<16xi1>
    %ne3A_145 = vector.broadcast %ne3A_144 : vector<16xi1> to vector<16xi1>
    %ne3A_146 = arith.xori %lt3A_141, %ne3A_145 : vector<16xi1>
    %and3A_147 = arith.andi %ne3A_146, %ne3A_139 : vector<16xi1>
    %add3A_148 = vector.broadcast %select_n3A_134 : i32 to vector<16xi32>
    %add3A_149 = arith.addi %rem3A_136, %add3A_148 : vector<16xi32>
    %select_n3A_150 = arith.select %and3A_147, %add3A_149, %rem3A_136 : vector<16xi1>, vector<16xi32>
    %mul3A_151 = arith.constant 0 : i32
    %mul3A_152 = vector.broadcast %mul3A_151 : i32 to vector<16xi32>
    %mul3A_153 = arith.muli %iota3A, %mul3A_152 : vector<16xi32>
    %jit3A_154 = arith.constant 128 : i32
    %div3A_155 = arith.divsi %mul3A_2, %jit3A_154 : i32
    %sign3A_156 = arith.constant 0 : i32
    %sign3A_157 = arith.cmpi sgt, %mul3A_2, %sign3A_156 : i32
    %sign3A_158 = arith.extui %sign3A_157 : i1 to i32
    %sign3A_159 = arith.constant 0 : i32
    %sign3A_160 = arith.cmpi slt, %mul3A_2, %sign3A_159 : i32
    %sign3A_161 = arith.extui %sign3A_160 : i1 to i32
    %sign3A_162 = arith.subi %sign3A_158, %sign3A_161 : i32
    %sign3A_163 = arith.constant 0 : i32
    %sign3A_164 = arith.cmpi sgt, %jit3A_154, %sign3A_163 : i32
    %sign3A_165 = arith.extui %sign3A_164 : i1 to i32
    %sign3A_166 = arith.constant 0 : i32
    %sign3A_167 = arith.cmpi slt, %jit3A_154, %sign3A_166 : i32
    %sign3A_168 = arith.extui %sign3A_167 : i1 to i32
    %sign3A_169 = arith.subi %sign3A_165, %sign3A_168 : i32
    %ne3A_170 = arith.cmpi ne, %sign3A_162, %sign3A_169 : i32
    %rem3A_171 = arith.remsi %mul3A_2, %jit3A_154 : i32
    %ne3A_172 = arith.constant 0 : i32
    %ne3A_173 = arith.cmpi ne, %rem3A_171, %ne3A_172 : i32
    %and3A_174 = arith.andi %ne3A_170, %ne3A_173 : i1
    %sub3A_175 = arith.constant 1 : i32
    %sub3A_176 = arith.subi %div3A_155, %sub3A_175 : i32
    %select_n3A_177 = arith.select %and3A_174, %sub3A_176, %div3A_155 : i32
    %mul3A_178 = arith.constant 128 : i32
    %mul3A_179 = arith.muli %select_n3A_177, %mul3A_178 : i32
    %sub3A_180 = arith.subi %mul3A_2, %mul3A_179 : i32
    %mul3A_181 = arith.constant 128 : i32
    %mul3A_182 = arith.muli %sub3A_180, %mul3A_181 : i32
    %dma_start3A = tpu.memref_slice %arg2[%select_n3A_177, %mul3A_182] : memref<77x16384xi32, #tpu.memory_space<hbm>> -> memref<1x128xi32, #tpu.memory_space<hbm>>
    %dma_start3A_183 = tpu.memref_squeeze %dma_start3A : memref<1x128xi32, #tpu.memory_space<hbm>> -> memref<128xi32, #tpu.memory_space<hbm>>
    %dma_start3A_184 = tpu.memref_slice %arg2[%select_n3A_177, %mul3A_182] : memref<77x16384xi32, #tpu.memory_space<hbm>> -> memref<1x128xi32, #tpu.memory_space<hbm>>
    %dma_start3A_185 = tpu.memref_squeeze %dma_start3A_184 : memref<1x128xi32, #tpu.memory_space<hbm>> -> memref<128xi32, #tpu.memory_space<hbm>>
    tpu.enqueue_dma source(%dma_start3A_185 : memref<128xi32, #tpu.memory_space<hbm>>) target(%arg7 : memref<128xi32, #tpu.memory_space<vmem>>) target_semaphore(%arg14 : memref<!tpu.dma_semaphore, #tpu.memory_space<semaphore_mem>>)
    %dma_wait3A = tpu.memref_slice %arg2[%select_n3A_177, %mul3A_182] : memref<77x16384xi32, #tpu.memory_space<hbm>> -> memref<1x128xi32, #tpu.memory_space<hbm>>
    %dma_wait3A_186 = tpu.memref_squeeze %dma_wait3A : memref<1x128xi32, #tpu.memory_space<hbm>> -> memref<128xi32, #tpu.memory_space<hbm>>
    %dma_wait3A_187 = tpu.memref_slice %arg2[%select_n3A_177, %mul3A_182] : memref<77x16384xi32, #tpu.memory_space<hbm>> -> memref<1x128xi32, #tpu.memory_space<hbm>>
    %dma_wait3A_188 = tpu.memref_squeeze %dma_wait3A_187 : memref<1x128xi32, #tpu.memory_space<hbm>> -> memref<128xi32, #tpu.memory_space<hbm>>
    tpu.wait_dma2 semaphore(%arg14 : memref<!tpu.dma_semaphore, #tpu.memory_space<semaphore_mem>>) src(%dma_wait3A_188 : memref<128xi32, #tpu.memory_space<hbm>>) dst(%arg7 : memref<128xi32, #tpu.memory_space<vmem>>)
    %dma_start3A_189 = arith.constant 0 : i32
    %dma_start3A_190 = arith.constant 0 : i32
    %dma_start3A_191 = tpu.memref_slice %arg3[%dma_start3A_189, %dma_start3A_190] : memref<1000000x64xf32, #tpu.memory_space<hbm>> -> memref<1000000x64xf32, #tpu.memory_space<hbm>>
    tpu.enqueue_indirect_dma source(%dma_start3A_191 : memref<1000000x64xf32, #tpu.memory_space<hbm>>) target(%arg9 : memref<128x64xf32, #tpu.memory_space<vmem>>) offsets(%arg7 : memref<128xi32, #tpu.memory_space<vmem>>) semaphore(%arg13 : memref<!tpu.dma_semaphore, #tpu.memory_space<semaphore_mem>>)
    %add3A_192 = arith.constant 1 : i32
    %add3A_193 = arith.addi %mul3A_2, %add3A_192 : i32
    %jit3A_194 = arith.constant 128 : i32
    %div3A_195 = arith.divsi %add3A_193, %jit3A_194 : i32
    %sign3A_196 = arith.constant 0 : i32
    %sign3A_197 = arith.cmpi sgt, %add3A_193, %sign3A_196 : i32
    %sign3A_198 = arith.extui %sign3A_197 : i1 to i32
    %sign3A_199 = arith.constant 0 : i32
    %sign3A_200 = arith.cmpi slt, %add3A_193, %sign3A_199 : i32
    %sign3A_201 = arith.extui %sign3A_200 : i1 to i32
    %sign3A_202 = arith.subi %sign3A_198, %sign3A_201 : i32
    %sign3A_203 = arith.constant 0 : i32
    %sign3A_204 = arith.cmpi sgt, %jit3A_194, %sign3A_203 : i32
    %sign3A_205 = arith.extui %sign3A_204 : i1 to i32
    %sign3A_206 = arith.constant 0 : i32
    %sign3A_207 = arith.cmpi slt, %jit3A_194, %sign3A_206 : i32
    %sign3A_208 = arith.extui %sign3A_207 : i1 to i32
    %sign3A_209 = arith.subi %sign3A_205, %sign3A_208 : i32
    %ne3A_210 = arith.cmpi ne, %sign3A_202, %sign3A_209 : i32
    %rem3A_211 = arith.remsi %add3A_193, %jit3A_194 : i32
    %ne3A_212 = arith.constant 0 : i32
    %ne3A_213 = arith.cmpi ne, %rem3A_211, %ne3A_212 : i32
    %and3A_214 = arith.andi %ne3A_210, %ne3A_213 : i1
    %sub3A_215 = arith.constant 1 : i32
    %sub3A_216 = arith.subi %div3A_195, %sub3A_215 : i32
    %select_n3A_217 = arith.select %and3A_214, %sub3A_216, %div3A_195 : i32
    %mul3A_218 = arith.constant 128 : i32
    %mul3A_219 = arith.muli %select_n3A_217, %mul3A_218 : i32
    %sub3A_220 = arith.subi %add3A_193, %mul3A_219 : i32
    %mul3A_221 = arith.constant 128 : i32
    %mul3A_222 = arith.muli %sub3A_220, %mul3A_221 : i32
    %dma_start3A_223 = tpu.memref_slice %arg2[%select_n3A_217, %mul3A_222] : memref<77x16384xi32, #tpu.memory_space<hbm>> -> memref<1x128xi32, #tpu.memory_space<hbm>>
    %dma_start3A_224 = tpu.memref_squeeze %dma_start3A_223 : memref<1x128xi32, #tpu.memory_space<hbm>> -> memref<128xi32, #tpu.memory_space<hbm>>
    %dma_start3A_225 = tpu.memref_slice %arg2[%select_n3A_217, %mul3A_222] : memref<77x16384xi32, #tpu.memory_space<hbm>> -> memref<1x128xi32, #tpu.memory_space<hbm>>
    %dma_start3A_226 = tpu.memref_squeeze %dma_start3A_225 : memref<1x128xi32, #tpu.memory_space<hbm>> -> memref<128xi32, #tpu.memory_space<hbm>>
    tpu.enqueue_dma source(%dma_start3A_226 : memref<128xi32, #tpu.memory_space<hbm>>) target(%arg8 : memref<128xi32, #tpu.memory_space<vmem>>) target_semaphore(%arg14 : memref<!tpu.dma_semaphore, #tpu.memory_space<semaphore_mem>>)
    %scan3A = arith.constant 0 : i32
    %scan3A_227 = arith.constant 0 : i32
    %scan3A_228 = arith.constant 154 : i32
    %scan3A_229 = arith.addi %scan3A_227, %scan3A_228 : i32
    %scan3A_230 = arith.constant 1 : i32
    %scan3A_231 = scf.for %scan3A_273 = %scan3A_227 to %scan3A_229 step %scan3A_230 iter_args(%scan3A_274 = %scan3A) -> (i32)  : i32 {
      %mul3A_275 = arith.constant 2 : i32
      %mul3A_276 = arith.muli %mul3A_275, %scan3A_273 : i32
      %add3A_277 = arith.addi %mul3A_2, %mul3A_276 : i32
      %add3A_278 = arith.constant 1 : i32
      %add3A_279 = arith.addi %add3A_277, %add3A_278 : i32
      %dma_wait3A_280 = arith.constant 0 : i32
      %dma_wait3A_281 = arith.constant 0 : i32
      %dma_wait3A_282 = tpu.memref_slice %arg3[%dma_wait3A_280, %dma_wait3A_281] : memref<1000000x64xf32, #tpu.memory_space<hbm>> -> memref<128x64xf32, #tpu.memory_space<hbm>>
      %dma_wait3A_283 = arith.constant 0 : i32
      %dma_wait3A_284 = arith.constant 0 : i32
      %dma_wait3A_285 = tpu.memref_slice %arg3[%dma_wait3A_283, %dma_wait3A_284] : memref<1000000x64xf32, #tpu.memory_space<hbm>> -> memref<128x64xf32, #tpu.memory_space<hbm>>
      tpu.wait_dma2 semaphore(%arg13 : memref<!tpu.dma_semaphore, #tpu.memory_space<semaphore_mem>>) src(%dma_wait3A_285 : memref<128x64xf32, #tpu.memory_space<hbm>>) dst(%arg9 : memref<128x64xf32, #tpu.memory_space<vmem>>)
      %dma_wait3A_286 = arith.constant 0 : i32
      %dma_wait3A_287 = arith.constant 0 : i32
      %dma_wait3A_288 = tpu.memref_slice %arg2[%dma_wait3A_286, %dma_wait3A_287] : memref<77x16384xi32, #tpu.memory_space<hbm>> -> memref<1x128xi32, #tpu.memory_space<hbm>>
      %dma_wait3A_289 = tpu.memref_squeeze %dma_wait3A_288 : memref<1x128xi32, #tpu.memory_space<hbm>> -> memref<128xi32, #tpu.memory_space<hbm>>
      %dma_wait3A_290 = arith.constant 0 : i32
      %dma_wait3A_291 = tpu.memref_slice %arg2[%dma_wait3A_286, %dma_wait3A_290] : memref<77x16384xi32, #tpu.memory_space<hbm>> -> memref<1x128xi32, #tpu.memory_space<hbm>>
      %dma_wait3A_292 = tpu.memref_squeeze %dma_wait3A_291 : memref<1x128xi32, #tpu.memory_space<hbm>> -> memref<128xi32, #tpu.memory_space<hbm>>
      tpu.wait_dma2 semaphore(%arg14 : memref<!tpu.dma_semaphore, #tpu.memory_space<semaphore_mem>>) src(%dma_wait3A_292 : memref<128xi32, #tpu.memory_space<hbm>>) dst(%arg8 : memref<128xi32, #tpu.memory_space<vmem>>)
      %dma_start3A_293 = arith.constant 0 : i32
      %dma_start3A_294 = arith.constant 0 : i32
      %dma_start3A_295 = tpu.memref_slice %arg3[%dma_start3A_293, %dma_start3A_294] : memref<1000000x64xf32, #tpu.memory_space<hbm>> -> memref<1000000x64xf32, #tpu.memory_space<hbm>>
      tpu.enqueue_indirect_dma source(%dma_start3A_295 : memref<1000000x64xf32, #tpu.memory_space<hbm>>) target(%arg10 : memref<128x64xf32, #tpu.memory_space<vmem>>) offsets(%arg8 : memref<128xi32, #tpu.memory_space<vmem>>) semaphore(%arg13 : memref<!tpu.dma_semaphore, #tpu.memory_space<semaphore_mem>>)
      %lt3A_296 = arith.constant 153 : i32
      %lt3A_297 = arith.cmpi slt, %scan3A_273, %lt3A_296 : i32
      %convert_element_type3A = arith.extui %lt3A_297 : i1 to i32
      %cond3A = arith.constant 0 : i32
      %cond3A_298 = arith.cmpi ne, %convert_element_type3A, %cond3A : i32
      scf.if %cond3A_298 {
        %add3A_486 = arith.constant 2 : i32
        %add3A_487 = arith.addi %add3A_277, %add3A_486 : i32
        %jit3A_488 = arith.constant 128 : i32
        %div3A_489 = arith.divsi %add3A_487, %jit3A_488 : i32
        %sign3A_490 = arith.constant 0 : i32
        %sign3A_491 = arith.cmpi sgt, %add3A_487, %sign3A_490 : i32
        %sign3A_492 = arith.extui %sign3A_491 : i1 to i32
        %sign3A_493 = arith.constant 0 : i32
        %sign3A_494 = arith.cmpi slt, %add3A_487, %sign3A_493 : i32
        %sign3A_495 = arith.extui %sign3A_494 : i1 to i32
        %sign3A_496 = arith.subi %sign3A_492, %sign3A_495 : i32
        %sign3A_497 = arith.constant 0 : i32
        %sign3A_498 = arith.cmpi sgt, %jit3A_488, %sign3A_497 : i32
        %sign3A_499 = arith.extui %sign3A_498 : i1 to i32
        %sign3A_500 = arith.constant 0 : i32
        %sign3A_501 = arith.cmpi slt, %jit3A_488, %sign3A_500 : i32
        %sign3A_502 = arith.extui %sign3A_501 : i1 to i32
        %sign3A_503 = arith.subi %sign3A_499, %sign3A_502 : i32
        %ne3A_504 = arith.cmpi ne, %sign3A_496, %sign3A_503 : i32
        %rem3A_505 = arith.remsi %add3A_487, %jit3A_488 : i32
        %ne3A_506 = arith.constant 0 : i32
        %ne3A_507 = arith.cmpi ne, %rem3A_505, %ne3A_506 : i32
        %and3A_508 = arith.andi %ne3A_504, %ne3A_507 : i1
        %sub3A_509 = arith.constant 1 : i32
        %sub3A_510 = arith.subi %div3A_489, %sub3A_509 : i32
        %select_n3A_511 = arith.select %and3A_508, %sub3A_510, %div3A_489 : i32
        %mul3A_512 = arith.constant 128 : i32
        %mul3A_513 = arith.muli %select_n3A_511, %mul3A_512 : i32
        %sub3A_514 = arith.subi %add3A_487, %mul3A_513 : i32
        %mul3A_515 = arith.constant 128 : i32
        %mul3A_516 = arith.muli %sub3A_514, %mul3A_515 : i32
        %dma_start3A_517 = tpu.memref_slice %arg2[%select_n3A_511, %mul3A_516] : memref<77x16384xi32, #tpu.memory_space<hbm>> -> memref<1x128xi32, #tpu.memory_space<hbm>>
        %dma_start3A_518 = tpu.memref_squeeze %dma_start3A_517 : memref<1x128xi32, #tpu.memory_space<hbm>> -> memref<128xi32, #tpu.memory_space<hbm>>
        %dma_start3A_519 = tpu.memref_slice %arg2[%select_n3A_511, %mul3A_516] : memref<77x16384xi32, #tpu.memory_space<hbm>> -> memref<1x128xi32, #tpu.memory_space<hbm>>
        %dma_start3A_520 = tpu.memref_squeeze %dma_start3A_519 : memref<1x128xi32, #tpu.memory_space<hbm>> -> memref<128xi32, #tpu.memory_space<hbm>>
        tpu.enqueue_dma source(%dma_start3A_520 : memref<128xi32, #tpu.memory_space<hbm>>) target(%arg7 : memref<128xi32, #tpu.memory_space<vmem>>) target_semaphore(%arg14 : memref<!tpu.dma_semaphore, #tpu.memory_space<semaphore_mem>>)
      } else {
      }
      %ge3A = arith.constant 1 : i32
      %ge3A_299 = arith.cmpi sge, %scan3A_273, %ge3A : i32
      %convert_element_type3A_300 = arith.extui %ge3A_299 : i1 to i32
      %cond3A_301 = arith.constant 0 : i32
      %cond3A_302 = arith.cmpi ne, %convert_element_type3A_300, %cond3A_301 : i32
      scf.if %cond3A_302 {
        %dma_wait3A_486 = arith.constant 0 : i32
        %dma_wait3A_487 = arith.constant 0 : i32
        %dma_wait3A_488 = arith.constant 0 : i32
        %dma_wait3A_489 = arith.constant 0 : i32
        %dma_wait3A_490 = arith.constant 0 : i32
        %dma_wait3A_491 = tpu.memref_slice %arg11[%dma_wait3A_488, %dma_wait3A_489, %dma_wait3A_490] : memref<8x8x133xf32, #tpu.memory_space<vmem>> -> memref<8x8x128xf32, #tpu.memory_space<vmem>>
        %dma_wait3A_492 = arith.constant 0 : i32
        %dma_wait3A_493 = arith.constant 0 : i32
        %dma_wait3A_494 = arith.constant 0 : i32
        %dma_wait3A_495 = tpu.memref_slice %arg5[%dma_wait3A_486, %dma_wait3A_492, %dma_wait3A_487, %dma_wait3A_493, %dma_wait3A_494] : memref<77x8x128x8x128xf32, #tpu.memory_space<hbm>> -> memref<1x8x1x8x128xf32, #tpu.memory_space<hbm>>
        %dma_wait3A_496 = tpu.memref_squeeze %dma_wait3A_495 : memref<1x8x1x8x128xf32, #tpu.memory_space<hbm>> -> memref<8x8x128xf32, #tpu.memory_space<hbm>>
        %dma_wait3A_497 = arith.constant 0 : i32
        %dma_wait3A_498 = arith.constant 0 : i32
        %dma_wait3A_499 = arith.constant 0 : i32
        %dma_wait3A_500 = tpu.memref_slice %arg5[%dma_wait3A_486, %dma_wait3A_497, %dma_wait3A_487, %dma_wait3A_498, %dma_wait3A_499] : memref<77x8x128x8x128xf32, #tpu.memory_space<hbm>> -> memref<1x8x1x8x128xf32, #tpu.memory_space<hbm>>
        %dma_wait3A_501 = tpu.memref_squeeze %dma_wait3A_500 : memref<1x8x1x8x128xf32, #tpu.memory_space<hbm>> -> memref<8x8x128xf32, #tpu.memory_space<hbm>>
        %dma_wait3A_502 = arith.constant 0 : i32
        %dma_wait3A_503 = arith.constant 0 : i32
        %dma_wait3A_504 = arith.constant 0 : i32
        %dma_wait3A_505 = tpu.memref_slice %arg11[%dma_wait3A_502, %dma_wait3A_503, %dma_wait3A_504] : memref<8x8x133xf32, #tpu.memory_space<vmem>> -> memref<8x8x128xf32, #tpu.memory_space<vmem>>
        tpu.wait_dma2 semaphore(%arg15 : memref<!tpu.dma_semaphore, #tpu.memory_space<semaphore_mem>>) src(%dma_wait3A_505 : memref<8x8x128xf32, #tpu.memory_space<vmem>>) dst(%dma_wait3A_501 : memref<8x8x128xf32, #tpu.memory_space<hbm>>)
      } else {
      }
      %jit3A_303 = arith.constant 128 : i32
      %div3A_304 = arith.divsi %add3A_277, %jit3A_303 : i32
      %sign3A_305 = arith.constant 0 : i32
      %sign3A_306 = arith.cmpi sgt, %add3A_277, %sign3A_305 : i32
      %sign3A_307 = arith.extui %sign3A_306 : i1 to i32
      %sign3A_308 = arith.constant 0 : i32
      %sign3A_309 = arith.cmpi slt, %add3A_277, %sign3A_308 : i32
      %sign3A_310 = arith.extui %sign3A_309 : i1 to i32
      %sign3A_311 = arith.subi %sign3A_307, %sign3A_310 : i32
      %sign3A_312 = arith.constant 0 : i32
      %sign3A_313 = arith.cmpi sgt, %jit3A_303, %sign3A_312 : i32
      %sign3A_314 = arith.extui %sign3A_313 : i1 to i32
      %sign3A_315 = arith.constant 0 : i32
      %sign3A_316 = arith.cmpi slt, %jit3A_303, %sign3A_315 : i32
      %sign3A_317 = arith.extui %sign3A_316 : i1 to i32
      %sign3A_318 = arith.subi %sign3A_314, %sign3A_317 : i32
      %ne3A_319 = arith.cmpi ne, %sign3A_311, %sign3A_318 : i32
      %rem3A_320 = arith.remsi %add3A_277, %jit3A_303 : i32
      %ne3A_321 = arith.constant 0 : i32
      %ne3A_322 = arith.cmpi ne, %rem3A_320, %ne3A_321 : i32
      %and3A_323 = arith.andi %ne3A_319, %ne3A_322 : i1
      %sub3A_324 = arith.constant 1 : i32
      %sub3A_325 = arith.subi %div3A_304, %sub3A_324 : i32
      %select_n3A_326 = arith.select %and3A_323, %sub3A_325, %div3A_304 : i32
      %get3A = arith.index_cast %select_n3A_326 : i32 to index
      %get3A_327 = arith.constant 0 : index
      %get3A_328 = tpu.vector_load %arg6[%get3A, %get3A_327] {strides = array<i32>} : memref<77x64xf32, #tpu.memory_space<vmem>>, vector<16xf32>,
      %get3A_329 = arith.index_cast %select_n3A_326 : i32 to index
      %get3A_330 = arith.constant 16 : index
      %get3A_331 = tpu.vector_load %arg6[%get3A_329, %get3A_330] {strides = array<i32>} : memref<77x64xf32, #tpu.memory_space<vmem>>, vector<16xf32>,
      %get3A_332 = arith.index_cast %select_n3A_326 : i32 to index
      %get3A_333 = arith.constant 32 : index
      %get3A_334 = tpu.vector_load %arg6[%get3A_332, %get3A_333] {strides = array<i32>} : memref<77x64xf32, #tpu.memory_space<vmem>>, vector<16xf32>,
      %get3A_335 = arith.index_cast %select_n3A_326 : i32 to index
      %get3A_336 = arith.constant 48 : index
      %get3A_337 = tpu.vector_load %arg6[%get3A_335, %get3A_336] {strides = array<i32>} : memref<77x64xf32, #tpu.memory_space<vmem>>, vector<16xf32>,
      %parallel_loop3A = arith.constant 0 : i32
      %parallel_loop3A_338 = arith.constant 128 : i32
      %parallel_loop3A_339 = arith.constant 1 : i32
      scf.for %parallel_loop3A_486 = %parallel_loop3A to %parallel_loop3A_338 step %parallel_loop3A_339  : i32 {
        %parallel_loop3A_487 = vector.broadcast %parallel_loop3A_486 : i32 to vector<16xi32>
        %parallel_loop3A_488 = arith.addi %mul3A_153, %parallel_loop3A_487 : vector<16xi32>
        %parallel_loop3A_489 = arith.index_cast %parallel_loop3A_486 : i32 to index
        %parallel_loop3A_490 = arith.constant 0 : index
        %parallel_loop3A_491 = tpu.vector_load %arg9[%parallel_loop3A_489, %parallel_loop3A_490] {strides = array<i32>} : memref<128x64xf32, #tpu.memory_space<vmem>>, vector<16xf32>,
        %parallel_loop3A_492 = arith.addf %parallel_loop3A_491, %get3A_328 : vector<16xf32>
        tpu.vector_store_idx %arg11[%add3A_28, %select_n3A_150, %parallel_loop3A_488], %parallel_loop3A_492 : memref<8x8x133xf32, #tpu.memory_space<vmem>>[vector<16xi32>, vector<16xi32>, vector<16xi32>], vector<16xf32>,
        %parallel_loop3A_493 = arith.index_cast %parallel_loop3A_486 : i32 to index
        %parallel_loop3A_494 = arith.constant 16 : index
        %parallel_loop3A_495 = tpu.vector_load %arg9[%parallel_loop3A_493, %parallel_loop3A_494] {strides = array<i32>} : memref<128x64xf32, #tpu.memory_space<vmem>>, vector<16xf32>,
        %parallel_loop3A_496 = arith.addf %parallel_loop3A_495, %get3A_331 : vector<16xf32>
        tpu.vector_store_idx %arg11[%add3A_62, %select_n3A_150, %parallel_loop3A_488], %parallel_loop3A_496 : memref<8x8x133xf32, #tpu.memory_space<vmem>>[vector<16xi32>, vector<16xi32>, vector<16xi32>], vector<16xf32>,
        %parallel_loop3A_497 = arith.index_cast %parallel_loop3A_486 : i32 to index
        %parallel_loop3A_498 = arith.constant 32 : index
        %parallel_loop3A_499 = tpu.vector_load %arg9[%parallel_loop3A_497, %parallel_loop3A_498] {strides = array<i32>} : memref<128x64xf32, #tpu.memory_space<vmem>>, vector<16xf32>,
        %parallel_loop3A_500 = arith.addf %parallel_loop3A_499, %get3A_334 : vector<16xf32>
        tpu.vector_store_idx %arg11[%add3A_96, %select_n3A_150, %parallel_loop3A_488], %parallel_loop3A_500 : memref<8x8x133xf32, #tpu.memory_space<vmem>>[vector<16xi32>, vector<16xi32>, vector<16xi32>], vector<16xf32>,
        %parallel_loop3A_501 = arith.index_cast %parallel_loop3A_486 : i32 to index
        %parallel_loop3A_502 = arith.constant 48 : index
        %parallel_loop3A_503 = tpu.vector_load %arg9[%parallel_loop3A_501, %parallel_loop3A_502] {strides = array<i32>} : memref<128x64xf32, #tpu.memory_space<vmem>>, vector<16xf32>,
        %parallel_loop3A_504 = arith.addf %parallel_loop3A_503, %get3A_337 : vector<16xf32>
        tpu.vector_store_idx %arg11[%add3A_130, %select_n3A_150, %parallel_loop3A_488], %parallel_loop3A_504 : memref<8x8x133xf32, #tpu.memory_space<vmem>>[vector<16xi32>, vector<16xi32>, vector<16xi32>], vector<16xf32>,
      } {sc.loop_unroll_factor = 4 : i64, sc.parallel_access}
      %jit3A_340 = arith.constant 128 : i32
      %div3A_341 = arith.divsi %add3A_277, %jit3A_340 : i32
      %sign3A_342 = arith.constant 0 : i32
      %sign3A_343 = arith.cmpi sgt, %add3A_277, %sign3A_342 : i32
      %sign3A_344 = arith.extui %sign3A_343 : i1 to i32
      %sign3A_345 = arith.constant 0 : i32
      %sign3A_346 = arith.cmpi slt, %add3A_277, %sign3A_345 : i32
      %sign3A_347 = arith.extui %sign3A_346 : i1 to i32
      %sign3A_348 = arith.subi %sign3A_344, %sign3A_347 : i32
      %sign3A_349 = arith.constant 0 : i32
      %sign3A_350 = arith.cmpi sgt, %jit3A_340, %sign3A_349 : i32
      %sign3A_351 = arith.extui %sign3A_350 : i1 to i32
      %sign3A_352 = arith.constant 0 : i32
      %sign3A_353 = arith.cmpi slt, %jit3A_340, %sign3A_352 : i32
      %sign3A_354 = arith.extui %sign3A_353 : i1 to i32
      %sign3A_355 = arith.subi %sign3A_351, %sign3A_354 : i32
      %ne3A_356 = arith.cmpi ne, %sign3A_348, %sign3A_355 : i32
      %rem3A_357 = arith.remsi %add3A_277, %jit3A_340 : i32
      %ne3A_358 = arith.constant 0 : i32
      %ne3A_359 = arith.cmpi ne, %rem3A_357, %ne3A_358 : i32
      %and3A_360 = arith.andi %ne3A_356, %ne3A_359 : i1
      %sub3A_361 = arith.constant 1 : i32
      %sub3A_362 = arith.subi %div3A_341, %sub3A_361 : i32
      %select_n3A_363 = arith.select %and3A_360, %sub3A_362, %div3A_341 : i32
      %mul3A_364 = arith.constant 128 : i32
      %mul3A_365 = arith.muli %select_n3A_363, %mul3A_364 : i32
      %sub3A_366 = arith.subi %add3A_277, %mul3A_365 : i32
      %dma_start3A_367 = arith.constant 0 : i32
      %dma_start3A_368 = arith.constant 0 : i32
      %dma_start3A_369 = arith.constant 0 : i32
      %dma_start3A_370 = tpu.memref_slice %arg11[%dma_start3A_367, %dma_start3A_368, %dma_start3A_369] : memref<8x8x133xf32, #tpu.memory_space<vmem>> -> memref<8x8x128xf32, #tpu.memory_space<vmem>>
      %dma_start3A_371 = arith.constant 0 : i32
      %dma_start3A_372 = arith.constant 0 : i32
      %dma_start3A_373 = arith.constant 0 : i32
      %dma_start3A_374 = tpu.memref_slice %arg5[%select_n3A_363, %dma_start3A_371, %sub3A_366, %dma_start3A_372, %dma_start3A_373] : memref<77x8x128x8x128xf32, #tpu.memory_space<hbm>> -> memref<1x8x1x8x128xf32, #tpu.memory_space<hbm>>
      %dma_start3A_375 = tpu.memref_squeeze %dma_start3A_374 : memref<1x8x1x8x128xf32, #tpu.memory_space<hbm>> -> memref<8x8x128xf32, #tpu.memory_space<hbm>>
      %dma_start3A_376 = arith.constant 0 : i32
      %dma_start3A_377 = arith.constant 0 : i32
      %dma_start3A_378 = arith.constant 0 : i32
      %dma_start3A_379 = tpu.memref_slice %arg5[%select_n3A_363, %dma_start3A_376, %sub3A_366, %dma_start3A_377, %dma_start3A_378] : memref<77x8x128x8x128xf32, #tpu.memory_space<hbm>> -> memref<1x8x1x8x128xf32, #tpu.memory_space<hbm>>
      %dma_start3A_380 = tpu.memref_squeeze %dma_start3A_379 : memref<1x8x1x8x128xf32, #tpu.memory_space<hbm>> -> memref<8x8x128xf32, #tpu.memory_space<hbm>>
      %dma_start3A_381 = arith.constant 0 : i32
      %dma_start3A_382 = arith.constant 0 : i32
      %dma_start3A_383 = arith.constant 0 : i32
      %dma_start3A_384 = tpu.memref_slice %arg11[%dma_start3A_381, %dma_start3A_382, %dma_start3A_383] : memref<8x8x133xf32, #tpu.memory_space<vmem>> -> memref<8x8x128xf32, #tpu.memory_space<vmem>>
      tpu.enqueue_dma source(%dma_start3A_384 : memref<8x8x128xf32, #tpu.memory_space<vmem>>) target(%dma_start3A_380 : memref<8x8x128xf32, #tpu.memory_space<hbm>>) target_semaphore(%arg15 : memref<!tpu.dma_semaphore, #tpu.memory_space<semaphore_mem>>)
      %dma_wait3A_385 = arith.constant 0 : i32
      %dma_wait3A_386 = arith.constant 0 : i32
      %dma_wait3A_387 = tpu.memref_slice %arg3[%dma_wait3A_385, %dma_wait3A_386] : memref<1000000x64xf32, #tpu.memory_space<hbm>> -> memref<128x64xf32, #tpu.memory_space<hbm>>
      %dma_wait3A_388 = arith.constant 0 : i32
      %dma_wait3A_389 = arith.constant 0 : i32
      %dma_wait3A_390 = tpu.memref_slice %arg3[%dma_wait3A_388, %dma_wait3A_389] : memref<1000000x64xf32, #tpu.memory_space<hbm>> -> memref<128x64xf32, #tpu.memory_space<hbm>>
      tpu.wait_dma2 semaphore(%arg13 : memref<!tpu.dma_semaphore, #tpu.memory_space<semaphore_mem>>) src(%dma_wait3A_390 : memref<128x64xf32, #tpu.memory_space<hbm>>) dst(%arg10 : memref<128x64xf32, #tpu.memory_space<vmem>>)
      %lt3A_391 = arith.constant 153 : i32
      %lt3A_392 = arith.cmpi slt, %scan3A_273, %lt3A_391 : i32
      %convert_element_type3A_393 = arith.extui %lt3A_392 : i1 to i32
      %cond3A_394 = arith.constant 0 : i32
      %cond3A_395 = arith.cmpi ne, %convert_element_type3A_393, %cond3A_394 : i32
      scf.if %cond3A_395 {
        %dma_wait3A_486 = arith.constant 0 : i32
        %dma_wait3A_487 = arith.constant 0 : i32
        %dma_wait3A_488 = tpu.memref_slice %arg2[%dma_wait3A_486, %dma_wait3A_487] : memref<77x16384xi32, #tpu.memory_space<hbm>> -> memref<1x128xi32, #tpu.memory_space<hbm>>
        %dma_wait3A_489 = tpu.memref_squeeze %dma_wait3A_488 : memref<1x128xi32, #tpu.memory_space<hbm>> -> memref<128xi32, #tpu.memory_space<hbm>>
        %dma_wait3A_490 = arith.constant 0 : i32
        %dma_wait3A_491 = tpu.memref_slice %arg2[%dma_wait3A_486, %dma_wait3A_490] : memref<77x16384xi32, #tpu.memory_space<hbm>> -> memref<1x128xi32, #tpu.memory_space<hbm>>
        %dma_wait3A_492 = tpu.memref_squeeze %dma_wait3A_491 : memref<1x128xi32, #tpu.memory_space<hbm>> -> memref<128xi32, #tpu.memory_space<hbm>>
        tpu.wait_dma2 semaphore(%arg14 : memref<!tpu.dma_semaphore, #tpu.memory_space<semaphore_mem>>) src(%dma_wait3A_492 : memref<128xi32, #tpu.memory_space<hbm>>) dst(%arg7 : memref<128xi32, #tpu.memory_space<vmem>>)
        %dma_start3A_493 = arith.constant 0 : i32
        %dma_start3A_494 = arith.constant 0 : i32
        %dma_start3A_495 = tpu.memref_slice %arg3[%dma_start3A_493, %dma_start3A_494] : memref<1000000x64xf32, #tpu.memory_space<hbm>> -> memref<1000000x64xf32, #tpu.memory_space<hbm>>
        tpu.enqueue_indirect_dma source(%dma_start3A_495 : memref<1000000x64xf32, #tpu.memory_space<hbm>>) target(%arg9 : memref<128x64xf32, #tpu.memory_space<vmem>>) offsets(%arg7 : memref<128xi32, #tpu.memory_space<vmem>>) semaphore(%arg13 : memref<!tpu.dma_semaphore, #tpu.memory_space<semaphore_mem>>)
        %add3A_496 = arith.constant 2 : i32
        %add3A_497 = arith.addi %add3A_279, %add3A_496 : i32
        %jit3A_498 = arith.constant 128 : i32
        %div3A_499 = arith.divsi %add3A_497, %jit3A_498 : i32
        %sign3A_500 = arith.constant 0 : i32
        %sign3A_501 = arith.cmpi sgt, %add3A_497, %sign3A_500 : i32
        %sign3A_502 = arith.extui %sign3A_501 : i1 to i32
        %sign3A_503 = arith.constant 0 : i32
        %sign3A_504 = arith.cmpi slt, %add3A_497, %sign3A_503 : i32
        %sign3A_505 = arith.extui %sign3A_504 : i1 to i32
        %sign3A_506 = arith.subi %sign3A_502, %sign3A_505 : i32
        %sign3A_507 = arith.constant 0 : i32
        %sign3A_508 = arith.cmpi sgt, %jit3A_498, %sign3A_507 : i32
        %sign3A_509 = arith.extui %sign3A_508 : i1 to i32
        %sign3A_510 = arith.constant 0 : i32
        %sign3A_511 = arith.cmpi slt, %jit3A_498, %sign3A_510 : i32
        %sign3A_512 = arith.extui %sign3A_511 : i1 to i32
        %sign3A_513 = arith.subi %sign3A_509, %sign3A_512 : i32
        %ne3A_514 = arith.cmpi ne, %sign3A_506, %sign3A_513 : i32
        %rem3A_515 = arith.remsi %add3A_497, %jit3A_498 : i32
        %ne3A_516 = arith.constant 0 : i32
        %ne3A_517 = arith.cmpi ne, %rem3A_515, %ne3A_516 : i32
        %and3A_518 = arith.andi %ne3A_514, %ne3A_517 : i1
        %sub3A_519 = arith.constant 1 : i32
        %sub3A_520 = arith.subi %div3A_499, %sub3A_519 : i32
        %select_n3A_521 = arith.select %and3A_518, %sub3A_520, %div3A_499 : i32
        %mul3A_522 = arith.constant 128 : i32
        %mul3A_523 = arith.muli %select_n3A_521, %mul3A_522 : i32
        %sub3A_524 = arith.subi %add3A_497, %mul3A_523 : i32
        %mul3A_525 = arith.constant 128 : i32
        %mul3A_526 = arith.muli %sub3A_524, %mul3A_525 : i32
        %dma_start3A_527 = tpu.memref_slice %arg2[%select_n3A_521, %mul3A_526] : memref<77x16384xi32, #tpu.memory_space<hbm>> -> memref<1x128xi32, #tpu.memory_space<hbm>>
        %dma_start3A_528 = tpu.memref_squeeze %dma_start3A_527 : memref<1x128xi32, #tpu.memory_space<hbm>> -> memref<128xi32, #tpu.memory_space<hbm>>
        %dma_start3A_529 = tpu.memref_slice %arg2[%select_n3A_521, %mul3A_526] : memref<77x16384xi32, #tpu.memory_space<hbm>> -> memref<1x128xi32, #tpu.memory_space<hbm>>
        %dma_start3A_530 = tpu.memref_squeeze %dma_start3A_529 : memref<1x128xi32, #tpu.memory_space<hbm>> -> memref<128xi32, #tpu.memory_space<hbm>>
        tpu.enqueue_dma source(%dma_start3A_530 : memref<128xi32, #tpu.memory_space<hbm>>) target(%arg8 : memref<128xi32, #tpu.memory_space<vmem>>) target_semaphore(%arg14 : memref<!tpu.dma_semaphore, #tpu.memory_space<semaphore_mem>>)
      } else {
      }
      %ge3A_396 = arith.constant 1 : i32
      %ge3A_397 = arith.cmpi sge, %scan3A_273, %ge3A_396 : i32
      %convert_element_type3A_398 = arith.extui %ge3A_397 : i1 to i32
      %cond3A_399 = arith.constant 0 : i32
      %cond3A_400 = arith.cmpi ne, %convert_element_type3A_398, %cond3A_399 : i32
      scf.if %cond3A_400 {
        %dma_wait3A_486 = arith.constant 0 : i32
        %dma_wait3A_487 = arith.constant 0 : i32
        %dma_wait3A_488 = arith.constant 0 : i32
        %dma_wait3A_489 = arith.constant 0 : i32
        %dma_wait3A_490 = arith.constant 0 : i32
        %dma_wait3A_491 = tpu.memref_slice %arg12[%dma_wait3A_488, %dma_wait3A_489, %dma_wait3A_490] : memref<8x8x133xf32, #tpu.memory_space<vmem>> -> memref<8x8x128xf32, #tpu.memory_space<vmem>>
        %dma_wait3A_492 = arith.constant 0 : i32
        %dma_wait3A_493 = arith.constant 0 : i32
        %dma_wait3A_494 = arith.constant 0 : i32
        %dma_wait3A_495 = tpu.memref_slice %arg5[%dma_wait3A_486, %dma_wait3A_492, %dma_wait3A_487, %dma_wait3A_493, %dma_wait3A_494] : memref<77x8x128x8x128xf32, #tpu.memory_space<hbm>> -> memref<1x8x1x8x128xf32, #tpu.memory_space<hbm>>
        %dma_wait3A_496 = tpu.memref_squeeze %dma_wait3A_495 : memref<1x8x1x8x128xf32, #tpu.memory_space<hbm>> -> memref<8x8x128xf32, #tpu.memory_space<hbm>>
        %dma_wait3A_497 = arith.constant 0 : i32
        %dma_wait3A_498 = arith.constant 0 : i32
        %dma_wait3A_499 = arith.constant 0 : i32
        %dma_wait3A_500 = tpu.memref_slice %arg5[%dma_wait3A_486, %dma_wait3A_497, %dma_wait3A_487, %dma_wait3A_498, %dma_wait3A_499] : memref<77x8x128x8x128xf32, #tpu.memory_space<hbm>> -> memref<1x8x1x8x128xf32, #tpu.memory_space<hbm>>
        %dma_wait3A_501 = tpu.memref_squeeze %dma_wait3A_500 : memref<1x8x1x8x128xf32, #tpu.memory_space<hbm>> -> memref<8x8x128xf32, #tpu.memory_space<hbm>>
        %dma_wait3A_502 = arith.constant 0 : i32
        %dma_wait3A_503 = arith.constant 0 : i32
        %dma_wait3A_504 = arith.constant 0 : i32
        %dma_wait3A_505 = tpu.memref_slice %arg12[%dma_wait3A_502, %dma_wait3A_503, %dma_wait3A_504] : memref<8x8x133xf32, #tpu.memory_space<vmem>> -> memref<8x8x128xf32, #tpu.memory_space<vmem>>
        tpu.wait_dma2 semaphore(%arg16 : memref<!tpu.dma_semaphore, #tpu.memory_space<semaphore_mem>>) src(%dma_wait3A_505 : memref<8x8x128xf32, #tpu.memory_space<vmem>>) dst(%dma_wait3A_501 : memref<8x8x128xf32, #tpu.memory_space<hbm>>)
      } else {
      }
      %jit3A_401 = arith.constant 128 : i32
      %div3A_402 = arith.divsi %add3A_279, %jit3A_401 : i32
      %sign3A_403 = arith.constant 0 : i32
      %sign3A_404 = arith.cmpi sgt, %add3A_279, %sign3A_403 : i32
      %sign3A_405 = arith.extui %sign3A_404 : i1 to i32
      %sign3A_406 = arith.constant 0 : i32
      %sign3A_407 = arith.cmpi slt, %add3A_279, %sign3A_406 : i32
      %sign3A_408 = arith.extui %sign3A_407 : i1 to i32
      %sign3A_409 = arith.subi %sign3A_405, %sign3A_408 : i32
      %sign3A_410 = arith.constant 0 : i32
      %sign3A_411 = arith.cmpi sgt, %jit3A_401, %sign3A_410 : i32
      %sign3A_412 = arith.extui %sign3A_411 : i1 to i32
      %sign3A_413 = arith.constant 0 : i32
      %sign3A_414 = arith.cmpi slt, %jit3A_401, %sign3A_413 : i32
      %sign3A_415 = arith.extui %sign3A_414 : i1 to i32
      %sign3A_416 = arith.subi %sign3A_412, %sign3A_415 : i32
      %ne3A_417 = arith.cmpi ne, %sign3A_409, %sign3A_416 : i32
      %rem3A_418 = arith.remsi %add3A_279, %jit3A_401 : i32
      %ne3A_419 = arith.constant 0 : i32
      %ne3A_420 = arith.cmpi ne, %rem3A_418, %ne3A_419 : i32
      %and3A_421 = arith.andi %ne3A_417, %ne3A_420 : i1
      %sub3A_422 = arith.constant 1 : i32
      %sub3A_423 = arith.subi %div3A_402, %sub3A_422 : i32
      %select_n3A_424 = arith.select %and3A_421, %sub3A_423, %div3A_402 : i32
      %get3A_425 = arith.index_cast %select_n3A_424 : i32 to index
      %get3A_426 = arith.constant 0 : index
      %get3A_427 = tpu.vector_load %arg6[%get3A_425, %get3A_426] {strides = array<i32>} : memref<77x64xf32, #tpu.memory_space<vmem>>, vector<16xf32>,
      %get3A_428 = arith.index_cast %select_n3A_424 : i32 to index
      %get3A_429 = arith.constant 16 : index
      %get3A_430 = tpu.vector_load %arg6[%get3A_428, %get3A_429] {strides = array<i32>} : memref<77x64xf32, #tpu.memory_space<vmem>>, vector<16xf32>,
      %get3A_431 = arith.index_cast %select_n3A_424 : i32 to index
      %get3A_432 = arith.constant 32 : index
      %get3A_433 = tpu.vector_load %arg6[%get3A_431, %get3A_432] {strides = array<i32>} : memref<77x64xf32, #tpu.memory_space<vmem>>, vector<16xf32>,
      %get3A_434 = arith.index_cast %select_n3A_424 : i32 to index
      %get3A_435 = arith.constant 48 : index
      %get3A_436 = tpu.vector_load %arg6[%get3A_434, %get3A_435] {strides = array<i32>} : memref<77x64xf32, #tpu.memory_space<vmem>>, vector<16xf32>,
      %parallel_loop3A_437 = arith.constant 0 : i32
      %parallel_loop3A_438 = arith.constant 128 : i32
      %parallel_loop3A_439 = arith.constant 1 : i32
      scf.for %parallel_loop3A_486 = %parallel_loop3A_437 to %parallel_loop3A_438 step %parallel_loop3A_439  : i32 {
        %parallel_loop3A_487 = vector.broadcast %parallel_loop3A_486 : i32 to vector<16xi32>
        %parallel_loop3A_488 = arith.addi %mul3A_153, %parallel_loop3A_487 : vector<16xi32>
        %parallel_loop3A_489 = arith.index_cast %parallel_loop3A_486 : i32 to index
        %parallel_loop3A_490 = arith.constant 0 : index
        %parallel_loop3A_491 = tpu.vector_load %arg10[%parallel_loop3A_489, %parallel_loop3A_490] {strides = array<i32>} : memref<128x64xf32, #tpu.memory_space<vmem>>, vector<16xf32>,
        %parallel_loop3A_492 = arith.addf %parallel_loop3A_491, %get3A_427 : vector<16xf32>
        tpu.vector_store_idx %arg12[%add3A_28, %select_n3A_150, %parallel_loop3A_488], %parallel_loop3A_492 : memref<8x8x133xf32, #tpu.memory_space<vmem>>[vector<16xi32>, vector<16xi32>, vector<16xi32>], vector<16xf32>,
        %parallel_loop3A_493 = arith.index_cast %parallel_loop3A_486 : i32 to index
        %parallel_loop3A_494 = arith.constant 16 : index
        %parallel_loop3A_495 = tpu.vector_load %arg10[%parallel_loop3A_493, %parallel_loop3A_494] {strides = array<i32>} : memref<128x64xf32, #tpu.memory_space<vmem>>, vector<16xf32>,
        %parallel_loop3A_496 = arith.addf %parallel_loop3A_495, %get3A_430 : vector<16xf32>
        tpu.vector_store_idx %arg12[%add3A_62, %select_n3A_150, %parallel_loop3A_488], %parallel_loop3A_496 : memref<8x8x133xf32, #tpu.memory_space<vmem>>[vector<16xi32>, vector<16xi32>, vector<16xi32>], vector<16xf32>,
        %parallel_loop3A_497 = arith.index_cast %parallel_loop3A_486 : i32 to index
        %parallel_loop3A_498 = arith.constant 32 : index
        %parallel_loop3A_499 = tpu.vector_load %arg10[%parallel_loop3A_497, %parallel_loop3A_498] {strides = array<i32>} : memref<128x64xf32, #tpu.memory_space<vmem>>, vector<16xf32>,
        %parallel_loop3A_500 = arith.addf %parallel_loop3A_499, %get3A_433 : vector<16xf32>
        tpu.vector_store_idx %arg12[%add3A_96, %select_n3A_150, %parallel_loop3A_488], %parallel_loop3A_500 : memref<8x8x133xf32, #tpu.memory_space<vmem>>[vector<16xi32>, vector<16xi32>, vector<16xi32>], vector<16xf32>,
        %parallel_loop3A_501 = arith.index_cast %parallel_loop3A_486 : i32 to index
        %parallel_loop3A_502 = arith.constant 48 : index
        %parallel_loop3A_503 = tpu.vector_load %arg10[%parallel_loop3A_501, %parallel_loop3A_502] {strides = array<i32>} : memref<128x64xf32, #tpu.memory_space<vmem>>, vector<16xf32>,
        %parallel_loop3A_504 = arith.addf %parallel_loop3A_503, %get3A_436 : vector<16xf32>
        tpu.vector_store_idx %arg12[%add3A_130, %select_n3A_150, %parallel_loop3A_488], %parallel_loop3A_504 : memref<8x8x133xf32, #tpu.memory_space<vmem>>[vector<16xi32>, vector<16xi32>, vector<16xi32>], vector<16xf32>,
      } {sc.loop_unroll_factor = 4 : i64, sc.parallel_access}
      %jit3A_440 = arith.constant 128 : i32
      %div3A_441 = arith.divsi %add3A_279, %jit3A_440 : i32
      %sign3A_442 = arith.constant 0 : i32
      %sign3A_443 = arith.cmpi sgt, %add3A_279, %sign3A_442 : i32
      %sign3A_444 = arith.extui %sign3A_443 : i1 to i32
      %sign3A_445 = arith.constant 0 : i32
      %sign3A_446 = arith.cmpi slt, %add3A_279, %sign3A_445 : i32
      %sign3A_447 = arith.extui %sign3A_446 : i1 to i32
      %sign3A_448 = arith.subi %sign3A_444, %sign3A_447 : i32
      %sign3A_449 = arith.constant 0 : i32
      %sign3A_450 = arith.cmpi sgt, %jit3A_440, %sign3A_449 : i32
      %sign3A_451 = arith.extui %sign3A_450 : i1 to i32
      %sign3A_452 = arith.constant 0 : i32
      %sign3A_453 = arith.cmpi slt, %jit3A_440, %sign3A_452 : i32
      %sign3A_454 = arith.extui %sign3A_453 : i1 to i32
      %sign3A_455 = arith.subi %sign3A_451, %sign3A_454 : i32
      %ne3A_456 = arith.cmpi ne, %sign3A_448, %sign3A_455 : i32
      %rem3A_457 = arith.remsi %add3A_279, %jit3A_440 : i32
      %ne3A_458 = arith.constant 0 : i32
      %ne3A_459 = arith.cmpi ne, %rem3A_457, %ne3A_458 : i32
      %and3A_460 = arith.andi %ne3A_456, %ne3A_459 : i1
      %sub3A_461 = arith.constant 1 : i32
      %sub3A_462 = arith.subi %div3A_441, %sub3A_461 : i32
      %select_n3A_463 = arith.select %and3A_460, %sub3A_462, %div3A_441 : i32
      %mul3A_464 = arith.constant 128 : i32
      %mul3A_465 = arith.muli %select_n3A_463, %mul3A_464 : i32
      %sub3A_466 = arith.subi %add3A_279, %mul3A_465 : i32
      %dma_start3A_467 = arith.constant 0 : i32
      %dma_start3A_468 = arith.constant 0 : i32
      %dma_start3A_469 = arith.constant 0 : i32
      %dma_start3A_470 = tpu.memref_slice %arg12[%dma_start3A_467, %dma_start3A_468, %dma_start3A_469] : memref<8x8x133xf32, #tpu.memory_space<vmem>> -> memref<8x8x128xf32, #tpu.memory_space<vmem>>
      %dma_start3A_471 = arith.constant 0 : i32
      %dma_start3A_472 = arith.constant 0 : i32
      %dma_start3A_473 = arith.constant 0 : i32
      %dma_start3A_474 = tpu.memref_slice %arg5[%select_n3A_463, %dma_start3A_471, %sub3A_466, %dma_start3A_472, %dma_start3A_473] : memref<77x8x128x8x128xf32, #tpu.memory_space<hbm>> -> memref<1x8x1x8x128xf32, #tpu.memory_space<hbm>>
      %dma_start3A_475 = tpu.memref_squeeze %dma_start3A_474 : memref<1x8x1x8x128xf32, #tpu.memory_space<hbm>> -> memref<8x8x128xf32, #tpu.memory_space<hbm>>
      %dma_start3A_476 = arith.constant 0 : i32
      %dma_start3A_477 = arith.constant 0 : i32
      %dma_start3A_478 = arith.constant 0 : i32
      %dma_start3A_479 = tpu.memref_slice %arg5[%select_n3A_463, %dma_start3A_476, %sub3A_466, %dma_start3A_477, %dma_start3A_478] : memref<77x8x128x8x128xf32, #tpu.memory_space<hbm>> -> memref<1x8x1x8x128xf32, #tpu.memory_space<hbm>>
      %dma_start3A_480 = tpu.memref_squeeze %dma_start3A_479 : memref<1x8x1x8x128xf32, #tpu.memory_space<hbm>> -> memref<8x8x128xf32, #tpu.memory_space<hbm>>
      %dma_start3A_481 = arith.constant 0 : i32
      %dma_start3A_482 = arith.constant 0 : i32
      %dma_start3A_483 = arith.constant 0 : i32
      %dma_start3A_484 = tpu.memref_slice %arg12[%dma_start3A_481, %dma_start3A_482, %dma_start3A_483] : memref<8x8x133xf32, #tpu.memory_space<vmem>> -> memref<8x8x128xf32, #tpu.memory_space<vmem>>
      tpu.enqueue_dma source(%dma_start3A_484 : memref<8x8x128xf32, #tpu.memory_space<vmem>>) target(%dma_start3A_480 : memref<8x8x128xf32, #tpu.memory_space<hbm>>) target_semaphore(%arg16 : memref<!tpu.dma_semaphore, #tpu.memory_space<semaphore_mem>>)
      %scan3A_485 = arith.constant 0 : i32
      scf.yield %scan3A_485 : i32
    }
    %scan3A_232 = arith.constant 154 : i32
    %dma_wait3A_233 = arith.constant 0 : i32
    %dma_wait3A_234 = arith.constant 0 : i32
    %dma_wait3A_235 = arith.constant 0 : i32
    %dma_wait3A_236 = arith.constant 0 : i32
    %dma_wait3A_237 = arith.constant 0 : i32
    %dma_wait3A_238 = tpu.memref_slice %arg11[%dma_wait3A_235, %dma_wait3A_236, %dma_wait3A_237] : memref<8x8x133xf32, #tpu.memory_space<vmem>> -> memref<8x8x128xf32, #tpu.memory_space<vmem>>
    %dma_wait3A_239 = arith.constant 0 : i32
    %dma_wait3A_240 = arith.constant 0 : i32
    %dma_wait3A_241 = arith.constant 0 : i32
    %dma_wait3A_242 = tpu.memref_slice %arg5[%dma_wait3A_233, %dma_wait3A_239, %dma_wait3A_234, %dma_wait3A_240, %dma_wait3A_241] : memref<77x8x128x8x128xf32, #tpu.memory_space<hbm>> -> memref<1x8x1x8x128xf32, #tpu.memory_space<hbm>>
    %dma_wait3A_243 = tpu.memref_squeeze %dma_wait3A_242 : memref<1x8x1x8x128xf32, #tpu.memory_space<hbm>> -> memref<8x8x128xf32, #tpu.memory_space<hbm>>
    %dma_wait3A_244 = arith.constant 0 : i32
    %dma_wait3A_245 = arith.constant 0 : i32
    %dma_wait3A_246 = arith.constant 0 : i32
    %dma_wait3A_247 = tpu.memref_slice %arg5[%dma_wait3A_233, %dma_wait3A_244, %dma_wait3A_234, %dma_wait3A_245, %dma_wait3A_246] : memref<77x8x128x8x128xf32, #tpu.memory_space<hbm>> -> memref<1x8x1x8x128xf32, #tpu.memory_space<hbm>>
    %dma_wait3A_248 = tpu.memref_squeeze %dma_wait3A_247 : memref<1x8x1x8x128xf32, #tpu.memory_space<hbm>> -> memref<8x8x128xf32, #tpu.memory_space<hbm>>
    %dma_wait3A_249 = arith.constant 0 : i32
    %dma_wait3A_250 = arith.constant 0 : i32
    %dma_wait3A_251 = arith.constant 0 : i32
    %dma_wait3A_252 = tpu.memref_slice %arg11[%dma_wait3A_249, %dma_wait3A_250, %dma_wait3A_251] : memref<8x8x133xf32, #tpu.memory_space<vmem>> -> memref<8x8x128xf32, #tpu.memory_space<vmem>>
    tpu.wait_dma2 semaphore(%arg15 : memref<!tpu.dma_semaphore, #tpu.memory_space<semaphore_mem>>) src(%dma_wait3A_252 : memref<8x8x128xf32, #tpu.memory_space<vmem>>) dst(%dma_wait3A_248 : memref<8x8x128xf32, #tpu.memory_space<hbm>>)
    %dma_wait3A_253 = arith.constant 0 : i32
    %dma_wait3A_254 = arith.constant 0 : i32
    %dma_wait3A_255 = arith.constant 0 : i32
    %dma_wait3A_256 = arith.constant 0 : i32
    %dma_wait3A_257 = arith.constant 0 : i32
    %dma_wait3A_258 = tpu.memref_slice %arg12[%dma_wait3A_255, %dma_wait3A_256, %dma_wait3A_257] : memref<8x8x133xf32, #tpu.memory_space<vmem>> -> memref<8x8x128xf32, #tpu.memory_space<vmem>>
    %dma_wait3A_259 = arith.constant 0 : i32
    %dma_wait3A_260 = arith.constant 0 : i32
    %dma_wait3A_261 = arith.constant 0 : i32
    %dma_wait3A_262 = tpu.memref_slice %arg5[%dma_wait3A_253, %dma_wait3A_259, %dma_wait3A_254, %dma_wait3A_260, %dma_wait3A_261] : memref<77x8x128x8x128xf32, #tpu.memory_space<hbm>> -> memref<1x8x1x8x128xf32, #tpu.memory_space<hbm>>
    %dma_wait3A_263 = tpu.memref_squeeze %dma_wait3A_262 : memref<1x8x1x8x128xf32, #tpu.memory_space<hbm>> -> memref<8x8x128xf32, #tpu.memory_space<hbm>>
    %dma_wait3A_264 = arith.constant 0 : i32
    %dma_wait3A_265 = arith.constant 0 : i32
    %dma_wait3A_266 = arith.constant 0 : i32
    %dma_wait3A_267 = tpu.memref_slice %arg5[%dma_wait3A_253, %dma_wait3A_264, %dma_wait3A_254, %dma_wait3A_265, %dma_wait3A_266] : memref<77x8x128x8x128xf32, #tpu.memory_space<hbm>> -> memref<1x8x1x8x128xf32, #tpu.memory_space<hbm>>
    %dma_wait3A_268 = tpu.memref_squeeze %dma_wait3A_267 : memref<1x8x1x8x128xf32, #tpu.memory_space<hbm>> -> memref<8x8x128xf32, #tpu.memory_space<hbm>>
    %dma_wait3A_269 = arith.constant 0 : i32
    %dma_wait3A_270 = arith.constant 0 : i32
    %dma_wait3A_271 = arith.constant 0 : i32
    %dma_wait3A_272 = tpu.memref_slice %arg12[%dma_wait3A_269, %dma_wait3A_270, %dma_wait3A_271] : memref<8x8x133xf32, #tpu.memory_space<vmem>> -> memref<8x8x128xf32, #tpu.memory_space<vmem>>
    tpu.wait_dma2 semaphore(%arg16 : memref<!tpu.dma_semaphore, #tpu.memory_space<semaphore_mem>>) src(%dma_wait3A_272 : memref<8x8x128xf32, #tpu.memory_space<vmem>>) dst(%dma_wait3A_268 : memref<8x8x128xf32, #tpu.memory_space<hbm>>)
    return
  }
}

</mosaic_0001>

<sc_bundles>
// kernel: kernel.3.cloned.1.call-start
scs
__scs_entry_jumppad:
0x0: {  	(pc) =	sbr.rel $0x88, $3  }
0x1: {  	(tag) =	ssettag $0x0;
	lr =	simm.s32 $0x1  }
0x2: {  	[smem:$0x3F9E] =	sst lr;
	_ =	strace $0xD0000000  }
0x3: {  	_ = 	snop  }
0x4: {  	_ = 	snop  }
0x5: {  	_ = 	snop  }
0x6: {  	_ = 	snop  }
0x7: {  	_ = 	snop  }
__scs_overlays_trampoline_lowered:
0x8: {  	[smem:$0x3FAD] =	sst s0  }
0x9: {  	[smem:$0x3FAE] =	sst s1  }
0xa: {  	[smem:$0x3FAF] =	sst s2  }
0xb: {  	[smem:$0x3FB0] =	sst s3  }
0xc: {  	[smem:$0x3FB1] =	sst s4  }
0xd: {  	[smem:$0x3FB2] =	sst s5  }
0xe: {  	[smem:$0x3FB3] =	sst s6  }
0xf: {  	[smem:$0x3FB4] =	sst s7  }
0x10: {  	[smem:$0x3FB5] =	sst s8  }
0x11: {  	[smem:$0x3FB6] =	sst s9;
	s0 =	simm.s32 @!p0 $0x0  }
0x12: {  	s1 =	sld [smem:$0x3F9C];
	s0 =	simm.s32 @p0 $0x1  }
0x13: {  	[smem:$0x3FB7] =	sst s0;
	s0 =	simm.s32 @!p1 $0x0  }
0x14: {  	s2 =	sld [smem:$0x3F9B];
	s0 =	simm.s32 @p1 $0x1  }
0x15: {  	[smem:$0x3FB8] =	sst s0;
	s0 =	simm.s32 @!p2 $0x0  }
0x16: {  	s3 =	sld [smem:$0x3FDB];
	s0 =	simm.s32 @p2 $0x1  }
0x17: {  	s4 =	simm.s32 $0x1BF5;
	[smem:$0x3FBA] =	sst s0  }
0x18: {  	s0 =	sld [smem:$0x3F9D];
	_ =	swait.ge [sflag:s4], $0x0  }
0x19: {  	s7 =	sld [smem:$0x3F9E]  }
0x1a: {  	s8 =	sadd.s32 $0xFFFFE003, lr  }
0x1b: {  	s9 =	sadd.s32 $0xFFFFFEF7, lr;
	s5 =	simm.s32 $0xFFFFFFFF;
	p2 =	slt.u32 s8, $0xFFFFF086  }
0x1c: {  	p1 =	slt.u32 s9, $0xF7A;
	s5 =	simm.s32 @!p2 $0x0  }
0x1d: {  	s5 =	simm.s32 @p1 $0x1;
	p0 =	seq.s32 s7, s2  }
0x1e: {  	s7 =	smul.u32 @!p0 $0xF7A, s2;
	p2 =	seq.s32 @!p0 s5, $0x0  }
0x1f: {  	s9 =	smul.u32 $0xF7A, s1;
	s8 =	simm.s32 @!p0 $0x1BF5;
	p2 =	por !p2, p0  }
0x20: {  	[sflag:s8] =	ssyncset.s32 @!p0 $0xFFFFF086;
	s6 =	sadd.s32 @!p0 s3, s7;
	s7 =	simm.s32 @!p0 $0x108  }
0x21: {  	s3 =	sadd.s32 s3, s9;
	s6 =	sadd.s32 @!p0 $0x88, s6;
	s7 =	simm.s32 @p2 $0x1082  }
0x22: {  	[simem:s7], [sflag:s8] =	dma.local @!p0 [hbm:s6], $0xF7A  }
0x23: {  	s9 =	sor.u32 $0xD0000000, s2;
	s6 =	simm.s32 $0x108;
	_ =	swait.ge @!p0 [sflag:s8], $0x0  }
0x24: {  	s3 =	sadd.s32 $0x88, s3;
	s6 =	simm.s32 @!p1 $0x1082;
	[sflag:s4] =	ssyncset.s32 $0xFFFFF086  }
0x25: {  	[simem:s6], [sflag:s4] =	dma.local [hbm:s3], $0xF7A  }
0x26: {  	[smem:$0x3F9E] =	sst s1;
	(tag) =	ssettag s2;
	_ =	strace s9  }
0x27: {  	s1 =	sld [smem:$0x3FAE]  }
0x28: {  	s2 =	sld [smem:$0x3FAF]  }
0x29: {  	s4 =	sld [smem:$0x3FB1]  }
0x2a: {  	p0 =	seq.s32 s5, $0x0;
	s5 =	sld [smem:$0x3FB2]  }
0x2b: {  	s6 =	sld [smem:$0x3FB3]  }
0x2c: {  	s7 =	sld [smem:$0x3FB4]  }
0x2d: {  	s3 =	simm.s32 $0x108;
	s8 =	sld [smem:$0x3FB5]  }
0x2e: {  	s3 =	simm.s32 @!p0 $0x1082;
	s9 =	sld [smem:$0x3FB6]  }
0x2f: {  	lr =	sadd.s32 s0, s3;
	s0 =	sld [smem:$0x3FAD]  }
0x30: {  	s3 =	sld [smem:$0x3FB0]  }
0x31: {  	[smem:$0x3FB9] =	sst s10  }
0x32: {  	s10 =	sld [smem:$0x3FB7];
	_ =	sdelay $0x3  }
0x33: {  	p0 =	seq.s32 s10, $0x1;
	s10 =	sld [smem:$0x3FB9];
	_ =	sdelay $0x3  }
0x34: {  	[smem:$0x3FB9] =	sst s10  }
0x35: {  	s10 =	sld [smem:$0x3FB8];
	_ =	sdelay $0x3  }
0x36: {  	p1 =	seq.s32 s10, $0x1;
	s10 =	sld [smem:$0x3FB9];
	_ =	sdelay $0x3  }
0x37: {  	[smem:$0x3FB9] =	sst s10  }
0x38: {  	s10 =	sld [smem:$0x3FBA]  }
0x39: {  	_ = 	snop;
	(pc) =	sbr.ind lr, $3  }
0x3a: {  	_ = 	snop  }
0x3b: {  	_ = 	snop  }
0x3c: {  	p2 =	seq.s32 s10, $0x1;
	s10 =	sld [smem:$0x3FB9]  }
0x3d: {  	_ =	shalt  }
0x3e: {  	_ =	shalt  }
0x3f: {  	_ =	shalt  }
0x40: {  	_ =	shalt  }
0x41: {  	_ =	shalt  }
0x42: {  	_ =	shalt  }
0x43: {  	_ =	shalt  }
0x44: {  	_ =	shalt  }
0x45: {  	_ =	shalt  }
0x46: {  	_ =	shalt  }
0x47: {  	_ =	shalt  }
0x48: {  	_ =	shalt  }
0x49: {  	_ =	shalt  }
0x4a: {  	_ =	shalt  }
0x4b: {  	_ =	shalt  }
0x4c: {  	_ =	shalt  }
0x4d: {  	_ =	shalt  }
0x4e: {  	_ =	shalt  }
0x4f: {  	_ =	shalt  }
0x50: {  	_ =	shalt  }
0x51: {  	_ =	shalt  }
0x52: {  	_ =	shalt  }
0x53: {  	_ =	shalt  }
0x54: {  	_ =	shalt  }
0x55: {  	_ =	shalt  }
0x56: {  	_ =	shalt  }
0x57: {  	_ =	shalt  }
0x58: {  	_ =	shalt  }
0x59: {  	_ =	shalt  }
0x5a: {  	_ =	shalt  }
0x5b: {  	_ =	shalt  }
0x5c: {  	_ =	shalt  }
0x5d: {  	_ =	shalt  }
0x5e: {  	_ =	shalt  }
0x5f: {  	_ =	shalt  }
0x60: {  	_ =	shalt  }
0x61: {  	_ =	shalt  }
0x62: {  	_ =	shalt  }
0x63: {  	_ =	shalt  }
0x64: {  	_ =	shalt  }
0x65: {  	_ =	shalt  }
0x66: {  	_ =	shalt  }
0x67: {  	_ =	shalt  }
0x68: {  	_ =	shalt  }
0x69: {  	_ =	shalt  }
0x6a: {  	_ =	shalt  }
0x6b: {  	_ =	shalt  }
0x6c: {  	_ =	shalt  }
0x6d: {  	_ =	shalt  }
0x6e: {  	_ =	shalt  }
0x6f: {  	_ =	shalt  }
0x70: {  	_ =	shalt  }
0x71: {  	_ =	shalt  }
0x72: {  	_ =	shalt  }
0x73: {  	_ =	shalt  }
0x74: {  	_ =	shalt  }
0x75: {  	_ =	shalt  }
0x76: {  	_ =	shalt  }
0x77: {  	_ =	shalt  }
0x78: {  	_ =	shalt  }
0x79: {  	_ =	shalt  }
0x7a: {  	_ =	shalt  }
0x7b: {  	_ =	shalt  }
0x7c: {  	_ =	shalt  }
0x7d: {  	_ =	shalt  }
0x7e: {  	_ =	shalt  }
0x7f: {  	_ =	shalt  }
0x80: {  	_ =	shalt  }
0x81: {  	_ =	shalt  }
0x82: {  	_ =	shalt  }
0x83: {  	_ =	shalt  }
0x84: {  	_ =	shalt  }
0x85: {  	_ =	shalt  }
0x86: {  	_ =	shalt  }
0x87: {  	_ =	shalt  }
.Lfunc_end0:
.L_simem_size_0:
called_computation_lowered:
.L_overlay_start_0:
0x88: {  	s2 =	sld [smem:$0x3FD9]  }
0x89: {  	s3 =	sld [smem:$0x3FFE];
	_ =	sdelay $0x1  }
0x8a: {  	s1 =	srdreg.scid  }
0x8b: {  	s0 =	sand.u32 $0x1, s1  }
0x8c: {  	s17 =	sshll.u32 s0, $0xA;
	s2 =	sadd.s32 s3, s2  }
0x8d: {  	s2 =	sadd.s32 s2, s17  }
0x8e: {  	[smem:$0x3FC5] =	sst s2  }
0x8f: {  	_ = 	snop  }
0x90: {  	s2 =	sld [smem:$0x3FD0];
	(tm) =	ssettm $0x1  }
0x91: {  	s18 =	sld [smem:$0x3FFB];
	_ =	sdelay $0x3  }
0x92: {  	_ =	strace s18  }
0x93: {  	s3 =	sld [smem:$0x3FFC];
	_ =	sdelay $0x3  }
0x94: {  	_ =	strace s3  }
0x95: {  	s3 =	sld [smem:$0x3FFD];
	_ =	sdelay $0x3  }
0x96: {  	_ =	strace s3  }
0x97: {  	_ =	strace $0x8FFFFFFF  }
0x98: {  	s19 =	sld [smem:$0x3FDB];
	_ =	sdelay $0x1  }
0x99: {  	s4 =	simm.s32 $_scs_section_size  }
0x9a: {  	s5 =	simm.s32 $_size__tile_overlayer_lowered;
	s6 =	simm.s32 $_tile_overlayer_lowered  }
0x9b: {  	s22 =	simm.s32 $0x1BFF;
	s21 =	sshll.u32 s6, $0x1;
	s3 =	sadd.s32 s4, s19  }
0x9c: {  	s7 =	simm.s32 $0x0;
	s20 =	sshll.u32 s5, $0x1;
	s5 =	sadd.s32 s21, s3  }
0x9d: {  	[timem:s7], [sflag:s22] =	dma.local [hbm:s5], s20  }
0x9e: {  	_ =	swait.ge [sflag:s22], s20  }
0x9f: {  	s4 =	ssub.s32 $0x0, s20;
	[sflag:s22] =	ssyncset.done $0x0  }
0xa0: {  	[sflag:s22] =	ssyncadd.s32 s4;
	_ =	sdelay $0x1  }
0xa1: {  	s23 =	simm.s32 $0x1B8B  }
0xa2: {  	_ =	swait.ge [sflag:s23], $0x1  }
0xa3: {  	[sflag:s23] =	ssyncset.done $0x0  }
0xa4: {  	s25 =	simm.s32 $0x1B8E;
	s24 =	sld [smem:$0x3FFE];
	[sflag:s23] =	ssyncadd.s32 $0xFFFFFFFF  }
0xa5: {  	s26 =	simm.s32 $execute0_lowered;
	[smem:$0x3FD2] =	sst s25  }
0xa6: {  	s5 =	sshll.u32 s26, $0x1;
	_ =	strace $0x80000046;
	[dreg:$0x1] =	wrdreg $0xFFFFFFFF  }
0xa7: {  	s28 =	simm.s32 $_size_execute0_lowered;
	s3 =	sadd.s32 s3, s5;
	[dreg:$0x0] =	wrdreg $0x0  }
0xa8: {  	s5 =	sshll.u32 s28, $0x1;
	[dreg:$0x2] =	wrdreg s3  }
0xa9: {  	[dreg:$0x3] =	wrdreg s5  }
0xaa: {  	[dreg:$0x4] =	wrdreg $0xC0  }
0xab: {  	_ =	task [dreg:s7], $0x5FFFF  }
0xac: {  	[dreg:$0x1] =	wrdreg $0xFFFFFFFF  }
0xad: {  	[dreg:$0x0] =	wrdreg $0x60  }
0xae: {  	[dreg:$0x2] =	wrdreg s24  }
0xaf: {  	[dreg:$0x3] =	wrdreg s2  }
0xb0: {  	[dreg:$0x4] =	wrdreg $0x9  }
0xb1: {  	_ =	task.clear_ibuf [dreg:s7], $0x5FFFF;
	_ =	strace $0x90000046  }
0xb2: {  	s29 =	simm.s32 $0x9;
	_ =	strace $0x80000048  }
0xb3: {  	_ =	swait.ge [sflag:s29], $0x1  }
0xb4: {  	[sflag:s29] =	ssyncadd.s32 $0xFFFFFFFF  }
0xb5: {  	_ =	strace $0x90000048  }
0xb6: {  	_ =	sfence  }
0xb7: {  	s30 =	sld [smem:$0x0];
	_ =	sdelay $0x2  }
0xb8: {  	s31 =	sshll.u32 s1, $0xD;
	s1 =	sshrl.u32 s1, $0x2  }
0xb9: {  	s3 =	sand.u32 $0x4000, s31;
	s1 =	sadd.s32 s1, s30  }
0xba: {  	s0 =	sor.u32 s3, s0;
	s1 =	sshll.u32 s1, $0x11  }
0xbb: {  	s0 =	sor.u32 s1, s0  }
0xbc: {  	s0 =	sadd.s32 $0x8F2B, s0  }
0xbd: {  	[sflag:s0] =	ssyncadd.remote.s32 $0x1  }
0xbe: {  	_ =	sfence.sel $0xFFFF  }
0xbf: {  	[dreg:$0x0] =	wrdreg $0xFFFFFFFF;
	(pc) =	sbr.abs _section_cstart, $3  }
0xc0: {  	[dreg:$0x1] =	wrdreg $0xFFFFFFFF  }
0xc1: {  	_ =	task.clear_ibuf [dreg:s7], $0x2FFFF;
	_ =	strace $0x9FFFFFFF  }
0xc2: {  	(tm) =	ssettm $0x7FFFFFFF  }
0xc3: {  	_ =	shalt  }
tec
execute0_lowered:
.L_overlay_start_1:
0x0: {  	(tag) =	ssettag $0x1  }
0x1: {  	s0 =	rddreg [dreg:$0x0]  }
0x2: {  	s1 =	srdreg.scid;
	s3 =	stileid.u32  }
0x3: {  	s2 =	rddreg [dreg:$0x1];
	s12 =	simm.s32 $0x5;
	s14 =	simm.s32 $0x2  }
0x4: {  	s15 =	simm.s32 $0x80;
	s17 =	simm.s32 $0x13C0;
	s18 =	simm.s32 $0x1  }
0x5: {  	s19 =	simm.s32 $0x3440;
	s20 =	simm.s32 $0x5440;
	s21 =	simm.s32 $0x7640  }
0x6: {  	s22 =	simm.s32 $0x3;
	s23 =	simm.s32 $0x4;
	s24 =	simm.s32 $0x0  }
0x7: {  	s1 =	sand.u32 $0x1, s1;
	s4 =	sshll.u32 s3, $0x1;
	s3 =	simm.s32 $0x0  }
0x8: {  	s7 =	sadd.s32 $0x27000, s0;
	s9 =	sadd.s32 $0x820, s0;
	s5 =	sor.u32 s1, s4  }
0x9: {  	[smem:$0x7FF] =	sst s3;
	s1 =	ssub.s32 $0x2, s1;
	s4 =	smul.u32 $0x1340, s5  }
0xa: {  	v0 =	vlaneseq.u32;
	s10 =	sadd.s32 $0x830, s0;
	_ =	strace $0x80000047;
	s6 =	sshrl.u32 s1, $0x1  }
0xb: {  	v0 =	vmul.u32 $0x88, v0;
	[dreg:$0x3] =	wrdreg s7;
	s1 =	ssub.s32 s1, s6;
	s8 =	sadd.s32 s4, s0  }
0xc: {  	s6 =	smul.u32 $0x134, s5;
	s4 =	sadd.s32 $0xF42C00, s0;
	s31 =	sadd.s32 $0x800, s8  }
0xd: {  	v1 =	vadd.s32 $0x880, v0;
	v2 =	vadd.s32 $0x1100, v0;
	v3 =	vadd.s32 $0x1980, v0;
	s11 =	smax.u32 s1, $0x1;
	s8 =	sadd.s32 $0x810, s8;
	[dreg:$0x4] =	wrdreg s31  }
.LBB2_1:
0xe: {  	s0 =	rddreg [dreg:$0x3]  }
0xf: {  	[tilespmem:s3], [sflag:$0x5] =	stream.linear.gather [hbm4b:s0+s3], $0x1340, $0x38;
	[tilespmem:$0x9840] =	vst v63  }
0x10: {  	_ =	swait.ge [sflag:s12], $0x1340  }
0x11: {  	[sflag:s12] =	ssyncset.done $0x0  }
0x12: {  	s1 =	simm.s32 $0x1340;
	s30 =	rddreg [dreg:$0x4];
	[sflag:s12] =	ssyncadd.s32 $0xFFFFECC0  }
0x13: {  	[tilespmem:s1], [sflag:$0x2] =	stream.linear.gather [hbm4b:s30+s3], $0x80, $0x38;
	[tilespmem:$0x9840] =	vst v63  }
0x14: {  	_ =	swait.ge [sflag:s14], $0x80  }
0x15: {  	[sflag:s14] =	ssyncset.done $0x0  }
0x16: {  	s31 =	simm.s32 $0x1440;
	[sflag:s14] =	ssyncadd.s32 $0xFFFFFF80  }
0x17: {  	[tilespmem:s31], [sflag:$0x1] =	stream.indirect.gather [hbm4b:s4+s15], $0x40, s1, s15, $0xb8;
	[tilespmem:$0x9840] =	vst v63  }
0x18: {  	s25 =	simm.s32 $0x0  }
0x19: {  	[tilespmem:s17], [sflag:$0x2] =	stream.linear.gather [hbm4b:s8+s3], $0x80, $0x38;
	[tilespmem:$0x9840] =	vst v63  }
.LBB2_2:
0x1a: {  	_ =	swait.ge [sflag:s18], $0x2000  }
0x1b: {  	p0 =	seq.s32 s25, $0x99;
	[sflag:s18] =	ssyncset.done $0x0  }
0x1c: {  	p1 =	seq.s32 @!p0 s25, $0x0;
	[sflag:s18] =	ssyncadd.s32 $0xFFFFE000  }
0x1d: {  	s0 =	sshll.u32 s25, $0x1;
	p1 =	por p0, !p1;
	_ =	swait.ge [sflag:s14], $0x80  }
.Ltmp0:
0x1e: {  	s29 =	sadd.s32 s6, s0;
	[sflag:s14] =	ssyncset.done $0x0;
	(pc) =	sbr.rel @!p1 .LBB2_3-.Ltmp0, $4  }
0x1f: {  	s28 =	sshll.u32 @!p0 s29, $0x4;
	[sflag:s14] =	ssyncadd.s32 $0xFFFFFF80  }
0x20: {  	[tilespmem:s19], [sflag:$0x1] =	stream.indirect.gather [hbm4b:s4+s15], $0x40, s17, s15, $0xb8;
	[tilespmem:$0x9840] =	vst v63  }
0x21: {  	s1 =	simm.s32 @!p0 $0x0;
	s5 =	simm.s32 @!p0 $0x1340;
	s0 =	sadd.s32 @!p0 s28, s9  }
0x22: {  	[tilespmem:s5], [sflag:$0x2] =	stream.linear.gather @!p0 [hbm4b:s0+s1], $0x80, $0x38;
	[tilespmem:$0x9840] =	vst v63  }
.Ltmp1:
0x23: {  	(pc) =	sbr.rel .LBB2_5-.Ltmp1, $4  }
0x24: {  	_ = 	snop  }
0x25: {  	_ =	swait.ge [sflag:s22], $0x2000  }
0x26: {  	[sflag:s22] =	ssyncset.done $0x0  }
0x27: {  	p1 =	por $0x0, $0x0;
	[sflag:s22] =	ssyncadd.s32 $0xFFFFE000  }
.LBB2_3:
0x28: {  	p1 =	por @!p0 $0x1, $0x1  }
.LBB2_5:
0x29: {  	s30 =	sshrl.u32 s29, $0x7;
	s16 =	simm.s32 $0x14C0  }
0x2a: {  	s0 =	simm.s32 $0x3;
	s26 =	sshll.u32 s30, $0x6;
	v7 =	vld [tilespmem:s16+$0x40]  }
0x2b: {  	v4 =	vmov s0;
	v9 =	vld [tilespmem:s26+$0x0]  }
0x2c: {  	v13 =	vand.u32 $0x7F, v4  }
0x2d: {  	s7 =	simm.s32 $0x0;
	v10 =	vld [tilespmem:s16+$0xFFFFFF80];
	v8 =	vadd.s32 v0, v13  }
0x2e: {  	s13 =	simm.s32 $0x1;
	s1 =	simm.s32 $0x2;
	v11 =	vld [tilespmem:s16+$0xFFFFFFC0];
	v4 =	vmov s7  }
0x2f: {  	v14 =	vmov s1;
	v16 =	vld [tilespmem:s16+$0x0];
	v12 =	vand.u32 $0x7C, v4;
	v4 =	vmov s13  }
0x30: {  	v6 =	vld [tilespmem:s26+$0x10];
	v15 =	vadd.s32 v0, v12;
	v19 =	vand.u32 $0x7D, v4;
	v7 =	vadd.f32 v7, v9  }
0x31: {  	v5 =	vld [tilespmem:s26+$0x20];
	v20 =	vand.u32 $0x7E, v14;
	v17 =	vadd.s32 v0, v19  }
0x32: {  	v14 =	vadd.s32 v0, v20;
	v4 =	vld [tilespmem:s26+$0x30];
	[tilespmem:v8+s20+$0x0] =	vst.idx.msk $0xffff, v7  }
0x33: {  	v7 =	vadd.f32 v10, v9;
	v8 =	vld [tilespmem:s16+$0x50]  }
0x34: {  	v10 =	vadd.f32 v11, v9  }
0x35: {  	v11 =	vadd.s32 v1, v13;
	[tilespmem:v15+s20+$0x0] =	vst.idx.msk $0xffff, v7;
	v7 =	vadd.f32 v16, v9  }
0x36: {  	[tilespmem:v17+s20+$0x0] =	vst.idx.msk $0xffff, v10;
	v15 =	vld [tilespmem:s16+$0xFFFFFF90]  }
0x37: {  	v10 =	vld [tilespmem:s16+$0xFFFFFFD0];
	[tilespmem:v14+s20+$0x0] =	vst.idx.msk $0xffff, v7  }
0x38: {  	v14 =	vld [tilespmem:s16+$0x10];
	v7 =	vadd.f32 v8, v6  }
0x39: {  	s5 =	simm.s32 $0x7;
	s31 =	simm.s32 $0x15C0;
	v16 =	vadd.s32 v1, v19  }
0x3a: {  	s1 =	simm.s32 $0x4;
	v18 =	vld [tilespmem:s31+$0x40];
	v26 =	vadd.s32 v2, v13;
	v17 =	vadd.s32 v1, v20;
	[tilespmem:v11+s20+$0x0] =	vst.idx.msk $0xffff, v7;
	v7 =	vmov s5  }
0x3b: {  	v21 =	vadd.s32 v1, v12;
	v8 =	vmov s1;
	v7 =	vand.u32 $0x7F, v7;
	v22 =	vld [tilespmem:s16+$0x60]  }
0x3c: {  	v23 =	vld [tilespmem:s31+$0xFFFFFF80];
	s7 =	simm.s32 $0x5;
	v8 =	vand.u32 $0x7C, v8;
	v10 =	vadd.f32 v10, v6;
	v24 =	vadd.s32 v0, v7  }
0x3d: {  	v25 =	vld [tilespmem:s31+$0xFFFFFFC0];
	s13 =	simm.s32 $0x6;
	v15 =	vadd.f32 v15, v6;
	v11 =	vadd.f32 v14, v6;
	v14 =	vmov s7  }
0x3e: {  	v27 =	vadd.s32 v0, v8;
	[tilespmem:v16+s20+$0x0] =	vst.idx.msk $0xffff, v10;
	v16 =	vmov s13;
	v10 =	vand.u32 $0x7D, v14;
	v14 =	vld [tilespmem:s31+$0x0]  }
0x3f: {  	[tilespmem:v17+s20+$0x0] =	vst.idx.msk $0xffff, v11;
	v17 =	vadd.s32 v0, v10;
	v11 =	vand.u32 $0x7E, v16;
	v16 =	vadd.f32 v18, v9;
	v18 =	vld [tilespmem:s16+$0xFFFFFFE0]  }
0x40: {  	[tilespmem:v21+s20+$0x0] =	vst.idx.msk $0xffff, v15;
	v15 =	vadd.s32 v0, v11;
	v21 =	vld [tilespmem:s16+$0x20];
	v22 =	vadd.f32 v22, v5  }
0x41: {  	v23 =	vadd.f32 v23, v9;
	[tilespmem:v24+s20+$0x0] =	vst.idx.msk $0xffff, v16;
	v16 =	vld [tilespmem:s16+$0xFFFFFFA0];
	v24 =	vadd.s32 v2, v19  }
0x42: {  	v29 =	vadd.s32 v2, v20;
	v25 =	vadd.f32 v25, v9;
	v28 =	vld [tilespmem:s31+$0x50];
	[tilespmem:v26+s20+$0x0] =	vst.idx.msk $0xffff, v22  }
0x43: {  	[tilespmem:v27+s20+$0x0] =	vst.idx.msk $0xffff, v23;
	v23 =	vadd.s32 v2, v12;
	v14 =	vadd.f32 v14, v9;
	v26 =	vld [tilespmem:s16+$0x70]  }
0x44: {  	v27 =	vld [tilespmem:s31+$0xFFFFFF90];
	[tilespmem:v17+s20+$0x0] =	vst.idx.msk $0xffff, v25;
	v25 =	vadd.s32 v1, v7;
	v18 =	vadd.f32 v18, v5  }
0x45: {  	v31 =	vadd.s32 v3, v13;
	v30 =	vld [tilespmem:s31+$0xFFFFFFD0];
	[tilespmem:v15+s20+$0x0] =	vst.idx.msk $0xffff, v14;
	v14 =	vadd.f32 v21, v5  }
0x46: {  	v22 =	vadd.s32 v1, v8;
	v17 =	vld [tilespmem:s31+$0x10];
	v13 =	vadd.f32 v16, v5;
	[tilespmem:v24+s20+$0x0] =	vst.idx.msk $0xffff, v18  }
0x47: {  	s0 =	simm.s32 $0x8;
	v21 =	vadd.s32 v1, v10;
	[tilespmem:v29+s20+$0x0] =	vst.idx.msk $0xffff, v14;
	v18 =	vadd.f32 v28, v6;
	v16 =	vld [tilespmem:s16+$0xFFFFFFF0]  }
0x48: {  	v24 =	vmov s0;
	v14 =	vadd.s32 v1, v11;
	v15 =	vld [tilespmem:s16+$0x30];
	[tilespmem:v23+s20+$0x0] =	vst.idx.msk $0xffff, v13;
	v63 =	vadd.f32 v26, v4  }
0x49: {  	s1 =	simm.s32 $0x16C0;
	s5 =	simm.s32 $0xB;
	v19 =	vadd.s32 v3, v19;
	v13 =	vand.u32 $0x7C, v24;
	v24 =	vadd.f32 v27, v6;
	[tilespmem:v25+s20+$0x0] =	vst.idx.msk $0xffff, v18;
	v18 =	vld [tilespmem:s16+$0xFFFFFFB0]  }
0x4a: {  	v20 =	vadd.s32 v3, v20;
	v26 =	vmov s5;
	v23 =	vld [tilespmem:s1+$0x40];
	s16 =	simm.s32 $0xC;
	v25 =	vadd.f32 v30, v6;
	[tilespmem:v31+s20+$0x0] =	vst.idx.msk $0xffff, v63  }
.LBB2_6:
0x4b: {  	p2 =	slt.u32 s16, $0x7C;
	s5 =	sadd.s32 $0x1, s0;
	v26 =	vand.u32 $0x7F, v26;
	[tilespmem:v22+s20+$0x0] =	vst.idx.msk $0xffff, v24;
	v17 =	vadd.f32 v17, v6;
	v22 =	vld [tilespmem:s31+$0x60];
	v24 =	vadd.s32 v3, v12  }
0x4c: {  	v30 =	vmovc v11;
	v27 =	vld [tilespmem:s1+$0xFFFFFF80];
	v28 =	vmov s5;
	s5 =	sadd.s32 $0x2, s0;
	v29 =	vadd.s32 v0, v26;
	[tilespmem:v21+s20+$0x0] =	vst.idx.msk $0xffff, v25;
	v16 =	vadd.f32 v16, v4;
	s0 =	smov.u32 s16  }
0x4d: {  	v12 =	vmovc v8;
	v21 =	vld [tilespmem:s1+$0xFFFFFFC0];
	v11 =	vmov s5;
	[tilespmem:v14+s20+$0x0] =	vst.idx.msk $0xffff, v17;
	v14 =	vadd.s32 v2, v7;
	v15 =	vadd.f32 v15, v4  }
0x4e: {  	v17 =	vadd.s32 v0, v13;
	v28 =	vand.u32 $0x7D, v28;
	v25 =	vld [tilespmem:s1+$0x0];
	v31 =	vadd.f32 v18, v4;
	[tilespmem:v19+s20+$0x0] =	vst.idx.msk $0xffff, v16  }
0x4f: {  	v16 =	vadd.s32 v0, v28;
	v11 =	vand.u32 $0x7E, v11;
	v18 =	vadd.f32 v23, v9;
	v19 =	vld [tilespmem:s31+$0xFFFFFFE0];
	[tilespmem:v20+s20+$0x0] =	vst.idx.msk $0xffff, v15  }
0x50: {  	v8 =	vmov v13;
	v15 =	vadd.s32 v0, v11;
	v20 =	vld [tilespmem:s31+$0x20];
	v22 =	vadd.f32 v22, v5;
	[tilespmem:v24+s20+$0x0] =	vst.idx.msk $0xffff, v31  }
0x51: {  	v23 =	vadd.s32 v2, v10;
	v13 =	vadd.f32 v27, v9;
	[tilespmem:v29+s20+$0x0] =	vst.idx.msk $0xffff, v18;
	v18 =	vld [tilespmem:s31+$0xFFFFFFA0]  }
0x52: {  	v27 =	vadd.s32 v2, v30;
	v21 =	vadd.f32 v21, v9;
	v24 =	vld [tilespmem:s1+$0x50];
	[tilespmem:v14+s20+$0x0] =	vst.idx.msk $0xffff, v22  }
0x53: {  	[tilespmem:v17+s20+$0x0] =	vst.idx.msk $0xffff, v13;
	v13 =	vadd.f32 v25, v9;
	v25 =	vadd.s32 v2, v12;
	v29 =	vld [tilespmem:s31+$0x70]  }
0x54: {  	v32 =	vadd.s32 v1, v26;
	v31 =	vld [tilespmem:s1+$0xFFFFFF90];
	[tilespmem:v16+s20+$0x0] =	vst.idx.msk $0xffff, v21;
	v14 =	vadd.f32 v19, v5  }
0x55: {  	v34 =	vadd.s32 v3, v7;
	v7 =	vmov v26;
	v33 =	vld [tilespmem:s1+$0xFFFFFFD0];
	[tilespmem:v15+s20+$0x0] =	vst.idx.msk $0xffff, v13;
	v13 =	vadd.f32 v20, v5  }
.Ltmp2:
0x56: {  	v22 =	vadd.s32 v1, v8;
	v17 =	vld [tilespmem:s1+$0x10];
	v15 =	vadd.f32 v18, v5;
	[tilespmem:v23+s20+$0x0] =	vst.idx.msk $0xffff, v14;
	(pc) =	sbr.rel @p2 .LBB2_6-.Ltmp2, $4  }
0x57: {  	v21 =	vadd.s32 v1, v28;
	v18 =	vadd.f32 v24, v6;
	v16 =	vld [tilespmem:s31+$0xFFFFFFF0];
	[tilespmem:v27+s20+$0x0] =	vst.idx.msk $0xffff, v13  }
0x58: {  	v14 =	vadd.s32 v1, v11;
	v13 =	vmov s16;
	[tilespmem:v25+s20+$0x0] =	vst.idx.msk $0xffff, v15;
	v15 =	vld [tilespmem:s31+$0x30];
	v27 =	vadd.f32 v29, v4  }
0x59: {  	s5 =	sadd.s32 $0x3, s16;
	v19 =	vadd.s32 v3, v10;
	v13 =	vand.u32 $0x7C, v13;
	v24 =	vadd.f32 v31, v6;
	[tilespmem:v32+s20+$0x0] =	vst.idx.msk $0xffff, v18;
	v18 =	vld [tilespmem:s31+$0xFFFFFFB0];
	s31 =	smov.u32 s1;
	s1 =	sadd.s32 $0x100, s1  }
0x5a: {  	v26 =	vmov s5;
	v10 =	vmovc v28;
	v20 =	vadd.s32 v3, v30;
	s16 =	sadd.s32 $0x4, s16;
	v23 =	vld [tilespmem:s1+$0x40];
	v25 =	vadd.f32 v33, v6;
	[tilespmem:v34+s20+$0x0] =	vst.idx.msk $0xffff, v27  }
0x5b: {  	s5 =	sadd.s32 $0x1, s0  }
0x5c: {  	v26 =	vand.u32 $0x7F, v26;
	s7 =	sadd.s32 $0x2, s0;
	v28 =	vld [tilespmem:s1+$0xFFFFFFC0];
	v27 =	vmov s5  }
0x5d: {  	v31 =	vld [tilespmem:s1+$0x0];
	v29 =	vadd.s32 v0, v26;
	v30 =	vmov s7;
	v27 =	vand.u32 $0x7D, v27  }
0x5e: {  	v32 =	vld [tilespmem:s1+$0xFFFFFF80];
	v30 =	vand.u32 $0x7E, v30;
	v33 =	vadd.s32 v0, v27  }
0x5f: {  	v34 =	vadd.s32 v0, v30  }
0x60: {  	[tilespmem:v22+s20+$0x0] =	vst.idx.msk $0xffff, v24;
	v44 =	vadd.s32 v0, v13;
	v23 =	vadd.f32 v23, v9  }
0x61: {  	[tilespmem:v21+s20+$0x0] =	vst.idx.msk $0xffff, v25;
	v45 =	vadd.f32 v28, v9  }
0x62: {  	v46 =	vadd.f32 v31, v9;
	[tilespmem:v29+s20+$0x0] =	vst.idx.msk $0xffff, v23  }
0x63: {  	v47 =	vadd.f32 v32, v9;
	v48 =	vld [tilespmem:s1+$0x50];
	[tilespmem:v33+s20+$0x0] =	vst.idx.msk $0xffff, v45  }
0x64: {  	v17 =	vadd.f32 v17, v6;
	v12 =	vadd.s32 v3, v12;
	[tilespmem:v34+s20+$0x0] =	vst.idx.msk $0xffff, v46;
	v21 =	vld [tilespmem:s1+$0xFFFFFFD0]  }
0x65: {  	v16 =	vadd.f32 v16, v4;
	v49 =	vadd.s32 v1, v26;
	[tilespmem:v44+s20+$0x0] =	vst.idx.msk $0xffff, v47;
	v50 =	vld [tilespmem:s1+$0x10]  }
0x66: {  	[tilespmem:v14+s20+$0x0] =	vst.idx.msk $0xffff, v17;
	v51 =	vadd.f32 v15, v4;
	v53 =	vadd.s32 v1, v27;
	v52 =	vld [tilespmem:s1+$0xFFFFFF90]  }
0x67: {  	v54 =	vld [tilespmem:s31+$0x60];
	v18 =	vadd.f32 v18, v4;
	[tilespmem:v19+s20+$0x0] =	vst.idx.msk $0xffff, v16;
	v55 =	vadd.s32 v1, v30  }
0x68: {  	v57 =	vadd.s32 v1, v13;
	v60 =	vld [tilespmem:s31+$0x20];
	[tilespmem:v20+s20+$0x0] =	vst.idx.msk $0xffff, v51;
	v58 =	vadd.f32 v48, v6  }
0x69: {  	v59 =	vadd.s32 v2, v7;
	v56 =	vld [tilespmem:s31+$0xFFFFFFE0];
	[tilespmem:v12+s20+$0x0] =	vst.idx.msk $0xffff, v18;
	v61 =	vadd.f32 v21, v6  }
0x6a: {  	v62 =	vld [tilespmem:s31+$0xFFFFFFA0];
	v29 =	vadd.s32 v2, v11;
	[tilespmem:v49+s20+$0x0] =	vst.idx.msk $0xffff, v58;
	v28 =	vadd.f32 v50, v6  }
0x6b: {  	v63 =	vadd.s32 v2, v10;
	v31 =	vadd.f32 v52, v6;
	v32 =	vld [tilespmem:s1+$0x60];
	[tilespmem:v53+s20+$0x0] =	vst.idx.msk $0xffff, v61  }
0x6c: {  	v33 =	vadd.f32 v54, v5;
	v34 =	vadd.s32 v2, v8;
	[tilespmem:v55+s20+$0x0] =	vst.idx.msk $0xffff, v28;
	v35 =	vld [tilespmem:s1+$0xFFFFFFE0]  }
0x6d: {  	v37 =	vadd.s32 v2, v26;
	v39 =	vadd.f32 v60, v5;
	[tilespmem:v57+s20+$0x0] =	vst.idx.msk $0xffff, v31;
	v38 =	vld [tilespmem:s1+$0x20]  }
0x6e: {  	v41 =	vadd.s32 v2, v27;
	v36 =	vadd.f32 v56, v5;
	[tilespmem:v59+s20+$0x0] =	vst.idx.msk $0xffff, v33;
	v40 =	vld [tilespmem:s1+$0xFFFFFFA0]  }
0x6f: {  	v43 =	vadd.s32 v2, v30;
	v18 =	vadd.f32 v62, v5;
	v42 =	vld [tilespmem:s31+$0x70];
	[tilespmem:v29+s20+$0x0] =	vst.idx.msk $0xffff, v39  }
0x70: {  	v45 =	vadd.s32 v2, v13;
	[tilespmem:v63+s20+$0x0] =	vst.idx.msk $0xffff, v36;
	v47 =	vld [tilespmem:s31+$0x30];
	v44 =	vadd.f32 v32, v5  }
0x71: {  	v46 =	vadd.s32 v3, v7;
	[tilespmem:v34+s20+$0x0] =	vst.idx.msk $0xffff, v18;
	v21 =	vld [tilespmem:s31+$0xFFFFFFF0];
	v9 =	vadd.f32 v35, v5  }
0x72: {  	v18 =	vld [tilespmem:s31+$0xFFFFFFB0];
	v50 =	vadd.s32 v3, v11;
	[tilespmem:v37+s20+$0x0] =	vst.idx.msk $0xffff, v44;
	v49 =	vadd.f32 v38, v5  }
0x73: {  	v48 =	vadd.s32 v3, v10;
	v5 =	vadd.f32 v40, v5;
	v12 =	vld [tilespmem:s1+$0x70];
	[tilespmem:v41+s20+$0x0] =	vst.idx.msk $0xffff, v9  }
0x74: {  	v52 =	vadd.s32 v3, v8;
	v51 =	vadd.f32 v42, v4;
	[tilespmem:v43+s20+$0x0] =	vst.idx.msk $0xffff, v49;
	v53 =	vld [tilespmem:s1+$0xFFFFFFF0]  }
0x75: {  	v55 =	vadd.s32 v3, v26;
	v56 =	vadd.f32 v47, v4;
	[tilespmem:v45+s20+$0x0] =	vst.idx.msk $0xffff, v5;
	v5 =	vld [tilespmem:s1+$0x30]  }
0x76: {  	v58 =	vadd.s32 v3, v27;
	[tilespmem:v46+s20+$0x0] =	vst.idx.msk $0xffff, v51;
	v54 =	vadd.f32 v21, v4;
	v57 =	vld [tilespmem:s1+$0xFFFFFFB0]  }
0x77: {  	v60 =	vadd.s32 v3, v30;
	v59 =	vadd.f32 v18, v4;
	[tilespmem:v50+s20+$0x0] =	vst.idx.msk $0xffff, v56  }
0x78: {  	v62 =	vadd.s32 v3, v13;
	[tilespmem:v48+s20+$0x0] =	vst.idx.msk $0xffff, v54;
	v61 =	vadd.f32 v12, v4  }
0x79: {  	s29 =	sshll.u32 s29, $0xA;
	s0 =	sshll.u32 s30, $0x11;
	[tilespmem:v52+s20+$0x0] =	vst.idx.msk $0xffff, v59;
	v63 =	vadd.f32 v53, v4  }
0x7a: {  	s30 =	sshll.u32 s30, $0x14;
	s13 =	ssub.s32 s29, s0;
	[tilespmem:v55+s20+$0x0] =	vst.idx.msk $0xffff, v61;
	v5 =	vadd.f32 v5, v4  }
0x7b: {  	s1 =	sadd.s32 s30, s13;
	v4 =	vadd.f32 v57, v4;
	[tilespmem:v58+s20+$0x0] =	vst.idx.msk $0xffff, v63  }
0x7c: {  	s1 =	sshrl.u32 s1, $0x3;
	[tilespmem:v60+s20+$0x0] =	vst.idx.msk $0xffff, v5  }
0x7d: {  	s16 =	simm.s32 $0x5440;
	s1 =	sadd.s32 s2, s1;
	[tilespmem:v62+s20+$0x0] =	vst.idx.msk $0xffff, v4  }
0x7e: {  	[hbm4b:s1+s3] =	stream.linear.scatter [tilespmem:s16], [sflag:$0x3], $0x80, $0x38;
	[tilespmem:$0x9840] =	vst v63  }
0x7f: {  	s7 =	simm.s32 $0x54C8;
	s13 =	sadd.s32 $0x10, s1  }
0x80: {  	[hbm4b:s13+s3] =	stream.linear.scatter [tilespmem:s7], [sflag:$0x3], $0x80, $0x38;
	[tilespmem:$0x9840] =	vst v63  }
0x81: {  	s16 =	simm.s32 $0x5550;
	s7 =	sadd.s32 $0x20, s1  }
0x82: {  	[hbm4b:s7+s3] =	stream.linear.scatter [tilespmem:s16], [sflag:$0x3], $0x80, $0x38;
	[tilespmem:$0x9840] =	vst v63  }
0x83: {  	s16 =	simm.s32 $0x55D8;
	s7 =	sadd.s32 $0x30, s1  }
0x84: {  	[hbm4b:s7+s3] =	stream.linear.scatter [tilespmem:s16], [sflag:$0x3], $0x80, $0x38;
	[tilespmem:$0x9840] =	vst v63  }
0x85: {  	s31 =	ssub.s32 $0x0, s0;
	s16 =	simm.s32 $0x5660;
	s7 =	sadd.s32 $0x40, s1  }
0x86: {  	[hbm4b:s7+s3] =	stream.linear.scatter [tilespmem:s16], [sflag:$0x3], $0x80, $0x38;
	[tilespmem:$0x9840] =	vst v63  }
0x87: {  	s0 =	simm.s32 $0x440;
	s16 =	simm.s32 $0x56E8;
	s7 =	sadd.s32 $0x50, s1  }
0x88: {  	[hbm4b:s7+s3] =	stream.linear.scatter [tilespmem:s16], [sflag:$0x3], $0x80, $0x38;
	[tilespmem:$0x9840] =	vst v63  }
0x89: {  	s5 =	sadd.s32 $0x70, s1;
	s13 =	simm.s32 $0x5770;
	s16 =	sadd.s32 $0x60, s1  }
0x8a: {  	[hbm4b:s16+s3] =	stream.linear.scatter [tilespmem:s13], [sflag:$0x3], $0x80, $0x38;
	[tilespmem:$0x9840] =	vst v63  }
0x8b: {  	s1 =	sadd.s32 $0x4000, s1;
	s16 =	simm.s32 $0x2200;
	s13 =	simm.s32 $0x57F8  }
.LBB2_8:
0x8c: {  	[hbm4b:s5+s3] =	stream.linear.scatter [tilespmem:s13], [sflag:$0x3], $0x80, $0x38;
	[tilespmem:$0x9840] =	vst v63  }
0x8d: {  	s5 =	smov.u32 s0;
	s0 =	smov.u32 s16  }
0x8e: {  	s7 =	sadd.s32 $0x1100, s16;
	s0 =	sshra.s32 s0, $0x2;
	s13 =	sadd.s32 $0x5440, s5  }
0x8f: {  	[hbm4b:s1+s3] =	stream.linear.scatter [tilespmem:s13], [sflag:$0x3], $0x80, $0x38;
	[tilespmem:$0x9840] =	vst v63  }
0x90: {  	p2 =	sne.s32 s16, $0x7700;
	s16 =	sadd.s32 $0x10, s1;
	s13 =	sadd.s32 $0x54C8, s5  }
0x91: {  	[hbm4b:s16+s3] =	stream.linear.scatter [tilespmem:s13], [sflag:$0x3], $0x80, $0x38;
	[tilespmem:$0x9840] =	vst v63  }
0x92: {  	s13 =	sadd.s32 $0x5550, s5;
	s16 =	sadd.s32 $0x20, s1  }
0x93: {  	[hbm4b:s16+s3] =	stream.linear.scatter [tilespmem:s13], [sflag:$0x3], $0x80, $0x38;
	[tilespmem:$0x9840] =	vst v63  }
0x94: {  	s13 =	sadd.s32 $0x55D8, s5;
	s16 =	sadd.s32 $0x30, s1  }
0x95: {  	[hbm4b:s16+s3] =	stream.linear.scatter [tilespmem:s13], [sflag:$0x3], $0x80, $0x38;
	[tilespmem:$0x9840] =	vst v63  }
0x96: {  	s13 =	sadd.s32 $0x5660, s5;
	s16 =	sadd.s32 $0x40, s1  }
0x97: {  	[hbm4b:s16+s3] =	stream.linear.scatter [tilespmem:s13], [sflag:$0x3], $0x80, $0x38;
	[tilespmem:$0x9840] =	vst v63  }
0x98: {  	s13 =	sadd.s32 $0x56E8, s5;
	s16 =	sadd.s32 $0x50, s1  }
0x99: {  	[hbm4b:s16+s3] =	stream.linear.scatter [tilespmem:s13], [sflag:$0x3], $0x80, $0x38;
	[tilespmem:$0x9840] =	vst v63  }
.Ltmp3:
0x9a: {  	_ = 	snop;
	(pc) =	sbr.rel @p2 .LBB2_8-.Ltmp3, $4  }
0x9b: {  	s13 =	sadd.s32 $0x5770, s5;
	s16 =	sadd.s32 $0x60, s1  }
0x9c: {  	[hbm4b:s16+s3] =	stream.linear.scatter [tilespmem:s13], [sflag:$0x3], $0x80, $0x38;
	[tilespmem:$0x9840] =	vst v63  }
0x9d: {  	s13 =	sadd.s32 $0x57F8, s5  }
0x9e: {  	s5 =	sadd.s32 $0x70, s1;
	s1 =	sadd.s32 $0x4000, s1;
	s16 =	smov.u32 s7  }
0x9f: {  	[hbm4b:s5+s3] =	stream.linear.scatter [tilespmem:s13], [sflag:$0x3], $0x80, $0x38;
	[tilespmem:$0x9840] =	vst v63  }
0xa0: {  	s13 =	sadd.s32 $0x5440, s0  }
0xa1: {  	[hbm4b:s1+s3] =	stream.linear.scatter [tilespmem:s13], [sflag:$0x3], $0x80, $0x38;
	[tilespmem:$0x9840] =	vst v63  }
0xa2: {  	s16 =	sadd.s32 $0x54C8, s0;
	s7 =	sadd.s32 $0x10, s1  }
0xa3: {  	[hbm4b:s7+s3] =	stream.linear.scatter [tilespmem:s16], [sflag:$0x3], $0x80, $0x38;
	[tilespmem:$0x9840] =	vst v63  }
0xa4: {  	s13 =	sadd.s32 $0x5550, s0;
	s16 =	sadd.s32 $0x20, s1  }
0xa5: {  	[hbm4b:s16+s3] =	stream.linear.scatter [tilespmem:s13], [sflag:$0x3], $0x80, $0x38;
	[tilespmem:$0x9840] =	vst v63  }
0xa6: {  	s13 =	sadd.s32 $0x55D8, s0;
	s16 =	sadd.s32 $0x30, s1  }
0xa7: {  	[hbm4b:s16+s3] =	stream.linear.scatter [tilespmem:s13], [sflag:$0x3], $0x80, $0x38;
	[tilespmem:$0x9840] =	vst v63  }
0xa8: {  	s13 =	sadd.s32 $0x5660, s0;
	s16 =	sadd.s32 $0x40, s1  }
0xa9: {  	[hbm4b:s16+s3] =	stream.linear.scatter [tilespmem:s13], [sflag:$0x3], $0x80, $0x38;
	[tilespmem:$0x9840] =	vst v63  }
0xaa: {  	s13 =	sadd.s32 $0x56E8, s0;
	s16 =	sadd.s32 $0x50, s1  }
0xab: {  	[hbm4b:s16+s3] =	stream.linear.scatter [tilespmem:s13], [sflag:$0x3], $0x80, $0x38;
	[tilespmem:$0x9840] =	vst v63  }
0xac: {  	s13 =	sadd.s32 $0x5770, s0;
	s16 =	sadd.s32 $0x60, s1  }
0xad: {  	[hbm4b:s16+s3] =	stream.linear.scatter [tilespmem:s13], [sflag:$0x3], $0x80, $0x38;
	[tilespmem:$0x9840] =	vst v63  }
0xae: {  	s13 =	sadd.s32 $0x57F8, s0;
	s16 =	sadd.s32 $0x70, s1  }
0xaf: {  	[hbm4b:s16+s3] =	stream.linear.scatter [tilespmem:s13], [sflag:$0x3], $0x80, $0x38;
	[tilespmem:$0x9840] =	vst v63  }
0xb0: {  	_ =	swait.ge [sflag:s18], $0x2000  }
0xb1: {  	[sflag:s18] =	ssyncset.done $0x0  }
0xb2: {  	s0 =	simm.s32 @!p0 $0x2;
	[sflag:s18] =	ssyncadd.s32 $0xFFFFE000  }
0xb3: {  	_ =	swait.ge @!p0 [sflag:s0], $0x80  }
0xb4: {  	s5 =	simm.s32 @!p0 $0x1440;
	[sflag:s0] =	ssyncset.done @!p0 $0x0  }
0xb5: {  	s1 =	simm.s32 @!p0 $0x1340;
	[sflag:s0] =	ssyncadd.s32 @!p0 $0xFFFFFF80;
	s0 =	simm.s32 @!p0 $0x80  }
0xb6: {  	[tilespmem:s5], [sflag:$0x1] =	stream.indirect.gather @!p0 [hbm4b:s4+s0], $0x40, s1, s0, $0xb8;
	[tilespmem:$0x9840] =	vst v63  }
0xb7: {  	s0 =	sadd.s32 @!p0 s28, s10;
	s1 =	simm.s32 @!p0 $0x0;
	s5 =	simm.s32 @!p0 $0x13C0  }
0xb8: {  	[tilespmem:s5], [sflag:$0x2] =	stream.linear.gather @!p0 [hbm4b:s0+s1], $0x80, $0x38;
	[tilespmem:$0x9840] =	vst v63  }
0xb9: {  	s0 =	simm.s32 @!p1 $0x4  }
0xba: {  	_ =	swait.ge @!p1 [sflag:s0], $0x2000  }
0xbb: {  	[sflag:s0] =	ssyncset.done @!p1 $0x0  }
0xbc: {  	[sflag:s0] =	ssyncadd.s32 @!p1 $0xFFFFE000  }
0xbd: {  	s16 =	simm.s32 $0x34C0;
	s5 =	simm.s32 $0x3;
	v9 =	vld [tilespmem:s26+$0x0]  }
0xbe: {  	v4 =	vmov s5;
	v7 =	vld [tilespmem:s16+$0x40]  }
0xbf: {  	v13 =	vand.u32 $0x7F, v4  }
0xc0: {  	s7 =	simm.s32 $0x0;
	v8 =	vadd.s32 v0, v13;
	v6 =	vld [tilespmem:s26+$0x10]  }
0xc1: {  	s13 =	simm.s32 $0x1;
	s28 =	simm.s32 $0x2;
	v4 =	vmov s7;
	v10 =	vld [tilespmem:s16+$0xFFFFFF80]  }
0xc2: {  	v14 =	vmov s28;
	v12 =	vand.u32 $0x7C, v4;
	v4 =	vmov s13;
	v11 =	vld [tilespmem:s16+$0xFFFFFFC0]  }
0xc3: {  	v15 =	vadd.s32 v0, v12;
	v19 =	vand.u32 $0x7D, v4;
	v16 =	vld [tilespmem:s16+$0x0];
	v7 =	vadd.f32 v7, v9  }
0xc4: {  	v20 =	vand.u32 $0x7E, v14;
	v5 =	vld [tilespmem:s26+$0x20];
	v17 =	vadd.s32 v0, v19  }
0xc5: {  	v14 =	vadd.s32 v0, v20;
	v4 =	vld [tilespmem:s26+$0x30];
	[tilespmem:v8+s21+$0x0] =	vst.idx.msk $0xffff, v7  }
0xc6: {  	v7 =	vadd.f32 v10, v9;
	v8 =	vld [tilespmem:s16+$0x50]  }
0xc7: {  	v10 =	vadd.f32 v11, v9  }
0xc8: {  	v11 =	vadd.s32 v1, v13;
	[tilespmem:v15+s21+$0x0] =	vst.idx.msk $0xffff, v7;
	v7 =	vadd.f32 v16, v9  }
0xc9: {  	[tilespmem:v17+s21+$0x0] =	vst.idx.msk $0xffff, v10;
	v15 =	vld [tilespmem:s16+$0xFFFFFF90]  }
0xca: {  	v10 =	vld [tilespmem:s16+$0xFFFFFFD0];
	[tilespmem:v14+s21+$0x0] =	vst.idx.msk $0xffff, v7  }
0xcb: {  	v14 =	vld [tilespmem:s16+$0x10];
	v7 =	vadd.f32 v8, v6  }
0xcc: {  	s5 =	simm.s32 $0x7;
	s26 =	simm.s32 $0x35C0;
	v16 =	vadd.s32 v1, v19  }
0xcd: {  	s1 =	simm.s32 $0x4;
	v26 =	vadd.s32 v2, v13;
	v18 =	vld [tilespmem:s26+$0x40];
	v17 =	vadd.s32 v1, v20;
	[tilespmem:v11+s21+$0x0] =	vst.idx.msk $0xffff, v7;
	v7 =	vmov s5  }
0xce: {  	v21 =	vadd.s32 v1, v12;
	v8 =	vmov s1;
	v7 =	vand.u32 $0x7F, v7;
	v22 =	vld [tilespmem:s16+$0x60]  }
0xcf: {  	s7 =	simm.s32 $0x5;
	v23 =	vld [tilespmem:s26+$0xFFFFFF80];
	v8 =	vand.u32 $0x7C, v8;
	v10 =	vadd.f32 v10, v6;
	v24 =	vadd.s32 v0, v7  }
0xd0: {  	s13 =	simm.s32 $0x6;
	v25 =	vld [tilespmem:s26+$0xFFFFFFC0];
	v15 =	vadd.f32 v15, v6;
	v11 =	vadd.f32 v14, v6;
	v14 =	vmov s7  }
0xd1: {  	v27 =	vadd.s32 v0, v8;
	[tilespmem:v16+s21+$0x0] =	vst.idx.msk $0xffff, v10;
	v16 =	vmov s13;
	v10 =	vand.u32 $0x7D, v14;
	v14 =	vld [tilespmem:s26+$0x0]  }
0xd2: {  	[tilespmem:v17+s21+$0x0] =	vst.idx.msk $0xffff, v11;
	v17 =	vadd.s32 v0, v10;
	v11 =	vand.u32 $0x7E, v16;
	v16 =	vadd.f32 v18, v9;
	v18 =	vld [tilespmem:s16+$0xFFFFFFE0]  }
0xd3: {  	[tilespmem:v21+s21+$0x0] =	vst.idx.msk $0xffff, v15;
	v15 =	vadd.s32 v0, v11;
	v21 =	vld [tilespmem:s16+$0x20];
	v22 =	vadd.f32 v22, v5  }
0xd4: {  	v23 =	vadd.f32 v23, v9;
	[tilespmem:v24+s21+$0x0] =	vst.idx.msk $0xffff, v16;
	v16 =	vld [tilespmem:s16+$0xFFFFFFA0];
	v24 =	vadd.s32 v2, v19  }
0xd5: {  	v29 =	vadd.s32 v2, v20;
	v25 =	vadd.f32 v25, v9;
	v28 =	vld [tilespmem:s26+$0x50];
	[tilespmem:v26+s21+$0x0] =	vst.idx.msk $0xffff, v22  }
0xd6: {  	[tilespmem:v27+s21+$0x0] =	vst.idx.msk $0xffff, v23;
	v23 =	vadd.s32 v2, v12;
	v14 =	vadd.f32 v14, v9;
	v26 =	vld [tilespmem:s16+$0x70]  }
0xd7: {  	v27 =	vld [tilespmem:s26+$0xFFFFFF90];
	[tilespmem:v17+s21+$0x0] =	vst.idx.msk $0xffff, v25;
	v25 =	vadd.s32 v1, v7;
	v18 =	vadd.f32 v18, v5  }
0xd8: {  	v31 =	vadd.s32 v3, v13;
	v30 =	vld [tilespmem:s26+$0xFFFFFFD0];
	[tilespmem:v15+s21+$0x0] =	vst.idx.msk $0xffff, v14;
	v14 =	vadd.f32 v21, v5  }
0xd9: {  	v22 =	vadd.s32 v1, v8;
	v17 =	vld [tilespmem:s26+$0x10];
	v13 =	vadd.f32 v16, v5;
	[tilespmem:v24+s21+$0x0] =	vst.idx.msk $0xffff, v18  }
0xda: {  	s0 =	simm.s32 $0x8;
	v21 =	vadd.s32 v1, v10;
	[tilespmem:v29+s21+$0x0] =	vst.idx.msk $0xffff, v14;
	v18 =	vadd.f32 v28, v6;
	v16 =	vld [tilespmem:s16+$0xFFFFFFF0]  }
0xdb: {  	v24 =	vmov s0;
	v14 =	vadd.s32 v1, v11;
	v15 =	vld [tilespmem:s16+$0x30];
	[tilespmem:v23+s21+$0x0] =	vst.idx.msk $0xffff, v13;
	v63 =	vadd.f32 v26, v4  }
0xdc: {  	s28 =	simm.s32 $0xB;
	s1 =	simm.s32 $0x36C0;
	v19 =	vadd.s32 v3, v19;
	v13 =	vand.u32 $0x7C, v24;
	v24 =	vadd.f32 v27, v6;
	[tilespmem:v25+s21+$0x0] =	vst.idx.msk $0xffff, v18;
	v18 =	vld [tilespmem:s16+$0xFFFFFFB0]  }
0xdd: {  	v20 =	vadd.s32 v3, v20;
	v26 =	vmov s28;
	v23 =	vld [tilespmem:s1+$0x40];
	s16 =	simm.s32 $0xC;
	v25 =	vadd.f32 v30, v6;
	[tilespmem:v31+s21+$0x0] =	vst.idx.msk $0xffff, v63  }
.LBB2_10:
0xde: {  	p0 =	slt.u32 s16, $0x7C;
	s5 =	sadd.s32 $0x1, s0;
	v26 =	vand.u32 $0x7F, v26;
	[tilespmem:v22+s21+$0x0] =	vst.idx.msk $0xffff, v24;
	v17 =	vadd.f32 v17, v6;
	v22 =	vld [tilespmem:s26+$0x60];
	v24 =	vadd.s32 v3, v12  }
0xdf: {  	v30 =	vmovc v11;
	v27 =	vld [tilespmem:s1+$0xFFFFFF80];
	v28 =	vmov s5;
	s5 =	sadd.s32 $0x2, s0;
	v29 =	vadd.s32 v0, v26;
	[tilespmem:v21+s21+$0x0] =	vst.idx.msk $0xffff, v25;
	v16 =	vadd.f32 v16, v4;
	s0 =	smov.u32 s16  }
0xe0: {  	v12 =	vmovc v8;
	v21 =	vld [tilespmem:s1+$0xFFFFFFC0];
	v11 =	vmov s5;
	[tilespmem:v14+s21+$0x0] =	vst.idx.msk $0xffff, v17;
	v14 =	vadd.s32 v2, v7;
	v15 =	vadd.f32 v15, v4  }
0xe1: {  	v17 =	vadd.s32 v0, v13;
	v28 =	vand.u32 $0x7D, v28;
	v25 =	vld [tilespmem:s1+$0x0];
	v31 =	vadd.f32 v18, v4;
	[tilespmem:v19+s21+$0x0] =	vst.idx.msk $0xffff, v16  }
0xe2: {  	v16 =	vadd.s32 v0, v28;
	v11 =	vand.u32 $0x7E, v11;
	v18 =	vadd.f32 v23, v9;
	v19 =	vld [tilespmem:s26+$0xFFFFFFE0];
	[tilespmem:v20+s21+$0x0] =	vst.idx.msk $0xffff, v15  }
0xe3: {  	v8 =	vmov v13;
	v15 =	vadd.s32 v0, v11;
	v20 =	vld [tilespmem:s26+$0x20];
	v22 =	vadd.f32 v22, v5;
	[tilespmem:v24+s21+$0x0] =	vst.idx.msk $0xffff, v31  }
0xe4: {  	v23 =	vadd.s32 v2, v10;
	v13 =	vadd.f32 v27, v9;
	[tilespmem:v29+s21+$0x0] =	vst.idx.msk $0xffff, v18;
	v18 =	vld [tilespmem:s26+$0xFFFFFFA0]  }
0xe5: {  	v27 =	vadd.s32 v2, v30;
	v21 =	vadd.f32 v21, v9;
	v24 =	vld [tilespmem:s1+$0x50];
	[tilespmem:v14+s21+$0x0] =	vst.idx.msk $0xffff, v22  }
0xe6: {  	[tilespmem:v17+s21+$0x0] =	vst.idx.msk $0xffff, v13;
	v13 =	vadd.f32 v25, v9;
	v25 =	vadd.s32 v2, v12;
	v29 =	vld [tilespmem:s26+$0x70]  }
0xe7: {  	v32 =	vadd.s32 v1, v26;
	v31 =	vld [tilespmem:s1+$0xFFFFFF90];
	[tilespmem:v16+s21+$0x0] =	vst.idx.msk $0xffff, v21;
	v14 =	vadd.f32 v19, v5  }
0xe8: {  	v34 =	vadd.s32 v3, v7;
	v7 =	vmov v26;
	v33 =	vld [tilespmem:s1+$0xFFFFFFD0];
	[tilespmem:v15+s21+$0x0] =	vst.idx.msk $0xffff, v13;
	v13 =	vadd.f32 v20, v5  }
.Ltmp4:
0xe9: {  	v22 =	vadd.s32 v1, v8;
	v17 =	vld [tilespmem:s1+$0x10];
	v15 =	vadd.f32 v18, v5;
	[tilespmem:v23+s21+$0x0] =	vst.idx.msk $0xffff, v14;
	(pc) =	sbr.rel @p0 .LBB2_10-.Ltmp4, $4  }
0xea: {  	v21 =	vadd.s32 v1, v28;
	v18 =	vadd.f32 v24, v6;
	v16 =	vld [tilespmem:s26+$0xFFFFFFF0];
	[tilespmem:v27+s21+$0x0] =	vst.idx.msk $0xffff, v13  }
0xeb: {  	v14 =	vadd.s32 v1, v11;
	v13 =	vmov s16;
	[tilespmem:v25+s21+$0x0] =	vst.idx.msk $0xffff, v15;
	v15 =	vld [tilespmem:s26+$0x30];
	v27 =	vadd.f32 v29, v4  }
0xec: {  	s5 =	sadd.s32 $0x3, s16;
	v19 =	vadd.s32 v3, v10;
	v13 =	vand.u32 $0x7C, v13;
	v24 =	vadd.f32 v31, v6;
	[tilespmem:v32+s21+$0x0] =	vst.idx.msk $0xffff, v18;
	v18 =	vld [tilespmem:s26+$0xFFFFFFB0];
	s26 =	smov.u32 s1;
	s1 =	sadd.s32 $0x100, s1  }
0xed: {  	v26 =	vmov s5;
	v10 =	vmovc v28;
	v20 =	vadd.s32 v3, v30;
	s16 =	sadd.s32 $0x4, s16;
	v23 =	vld [tilespmem:s1+$0x40];
	v25 =	vadd.f32 v33, v6;
	[tilespmem:v34+s21+$0x0] =	vst.idx.msk $0xffff, v27  }
0xee: {  	s5 =	sadd.s32 $0x1, s0  }
0xef: {  	v26 =	vand.u32 $0x7F, v26;
	s13 =	sadd.s32 $0x2, s0;
	v28 =	vld [tilespmem:s1+$0xFFFFFFC0];
	v27 =	vmov s5  }
0xf0: {  	v31 =	vld [tilespmem:s1+$0x0];
	v29 =	vadd.s32 v0, v26;
	v30 =	vmov s13;
	v27 =	vand.u32 $0x7D, v27  }
0xf1: {  	v32 =	vld [tilespmem:s1+$0xFFFFFF80];
	v30 =	vand.u32 $0x7E, v30;
	v33 =	vadd.s32 v0, v27  }
0xf2: {  	v34 =	vadd.s32 v0, v30  }
0xf3: {  	[tilespmem:v22+s21+$0x0] =	vst.idx.msk $0xffff, v24;
	v44 =	vadd.s32 v0, v13;
	v23 =	vadd.f32 v23, v9  }
0xf4: {  	[tilespmem:v21+s21+$0x0] =	vst.idx.msk $0xffff, v25;
	v45 =	vadd.f32 v28, v9  }
0xf5: {  	v46 =	vadd.f32 v31, v9;
	[tilespmem:v29+s21+$0x0] =	vst.idx.msk $0xffff, v23  }
0xf6: {  	v47 =	vadd.f32 v32, v9;
	v48 =	vld [tilespmem:s1+$0x50];
	[tilespmem:v33+s21+$0x0] =	vst.idx.msk $0xffff, v45  }
0xf7: {  	v17 =	vadd.f32 v17, v6;
	v12 =	vadd.s32 v3, v12;
	[tilespmem:v34+s21+$0x0] =	vst.idx.msk $0xffff, v46;
	v21 =	vld [tilespmem:s1+$0xFFFFFFD0]  }
0xf8: {  	v16 =	vadd.f32 v16, v4;
	v49 =	vadd.s32 v1, v26;
	[tilespmem:v44+s21+$0x0] =	vst.idx.msk $0xffff, v47;
	v50 =	vld [tilespmem:s1+$0x10]  }
0xf9: {  	[tilespmem:v14+s21+$0x0] =	vst.idx.msk $0xffff, v17;
	v51 =	vadd.f32 v15, v4;
	v53 =	vadd.s32 v1, v27;
	v52 =	vld [tilespmem:s1+$0xFFFFFF90]  }
0xfa: {  	v54 =	vld [tilespmem:s26+$0x60];
	v18 =	vadd.f32 v18, v4;
	[tilespmem:v19+s21+$0x0] =	vst.idx.msk $0xffff, v16;
	v55 =	vadd.s32 v1, v30  }
0xfb: {  	v57 =	vadd.s32 v1, v13;
	v60 =	vld [tilespmem:s26+$0x20];
	[tilespmem:v20+s21+$0x0] =	vst.idx.msk $0xffff, v51;
	v58 =	vadd.f32 v48, v6  }
0xfc: {  	v59 =	vadd.s32 v2, v7;
	v56 =	vld [tilespmem:s26+$0xFFFFFFE0];
	[tilespmem:v12+s21+$0x0] =	vst.idx.msk $0xffff, v18;
	v61 =	vadd.f32 v21, v6  }
0xfd: {  	v62 =	vld [tilespmem:s26+$0xFFFFFFA0];
	v29 =	vadd.s32 v2, v11;
	[tilespmem:v49+s21+$0x0] =	vst.idx.msk $0xffff, v58;
	v28 =	vadd.f32 v50, v6  }
0xfe: {  	v63 =	vadd.s32 v2, v10;
	v31 =	vadd.f32 v52, v6;
	v32 =	vld [tilespmem:s1+$0x60];
	[tilespmem:v53+s21+$0x0] =	vst.idx.msk $0xffff, v61  }
0xff: {  	v33 =	vadd.f32 v54, v5;
	v34 =	vadd.s32 v2, v8;
	[tilespmem:v55+s21+$0x0] =	vst.idx.msk $0xffff, v28;
	v35 =	vld [tilespmem:s1+$0xFFFFFFE0]  }
0x100: {  	v37 =	vadd.s32 v2, v26;
	v39 =	vadd.f32 v60, v5;
	[tilespmem:v57+s21+$0x0] =	vst.idx.msk $0xffff, v31;
	v38 =	vld [tilespmem:s1+$0x20]  }
0x101: {  	v41 =	vadd.s32 v2, v27;
	v36 =	vadd.f32 v56, v5;
	[tilespmem:v59+s21+$0x0] =	vst.idx.msk $0xffff, v33;
	v40 =	vld [tilespmem:s1+$0xFFFFFFA0]  }
0x102: {  	v43 =	vadd.s32 v2, v30;
	v18 =	vadd.f32 v62, v5;
	v42 =	vld [tilespmem:s26+$0x70];
	[tilespmem:v29+s21+$0x0] =	vst.idx.msk $0xffff, v39  }
0x103: {  	v45 =	vadd.s32 v2, v13;
	[tilespmem:v63+s21+$0x0] =	vst.idx.msk $0xffff, v36;
	v47 =	vld [tilespmem:s26+$0x30];
	v44 =	vadd.f32 v32, v5  }
0x104: {  	v46 =	vadd.s32 v3, v7;
	[tilespmem:v34+s21+$0x0] =	vst.idx.msk $0xffff, v18;
	v21 =	vld [tilespmem:s26+$0xFFFFFFF0];
	v9 =	vadd.f32 v35, v5  }
0x105: {  	v18 =	vld [tilespmem:s26+$0xFFFFFFB0];
	v50 =	vadd.s32 v3, v11;
	[tilespmem:v37+s21+$0x0] =	vst.idx.msk $0xffff, v44;
	v49 =	vadd.f32 v38, v5  }
0x106: {  	v48 =	vadd.s32 v3, v10;
	v5 =	vadd.f32 v40, v5;
	v12 =	vld [tilespmem:s1+$0x70];
	[tilespmem:v41+s21+$0x0] =	vst.idx.msk $0xffff, v9  }
0x107: {  	v52 =	vadd.s32 v3, v8;
	v51 =	vadd.f32 v42, v4;
	[tilespmem:v43+s21+$0x0] =	vst.idx.msk $0xffff, v49;
	v53 =	vld [tilespmem:s1+$0xFFFFFFF0]  }
0x108: {  	v55 =	vadd.s32 v3, v26;
	v56 =	vadd.f32 v47, v4;
	[tilespmem:v45+s21+$0x0] =	vst.idx.msk $0xffff, v5;
	v5 =	vld [tilespmem:s1+$0x30]  }
0x109: {  	v58 =	vadd.s32 v3, v27;
	[tilespmem:v46+s21+$0x0] =	vst.idx.msk $0xffff, v51;
	v54 =	vadd.f32 v21, v4;
	v57 =	vld [tilespmem:s1+$0xFFFFFFB0]  }
0x10a: {  	v60 =	vadd.s32 v3, v30;
	v59 =	vadd.f32 v18, v4;
	[tilespmem:v50+s21+$0x0] =	vst.idx.msk $0xffff, v56  }
0x10b: {  	v62 =	vadd.s32 v3, v13;
	[tilespmem:v48+s21+$0x0] =	vst.idx.msk $0xffff, v54;
	v61 =	vadd.f32 v12, v4  }
0x10c: {  	s16 =	sadd.s32 s29, s31;
	[tilespmem:v52+s21+$0x0] =	vst.idx.msk $0xffff, v59;
	v63 =	vadd.f32 v53, v4  }
0x10d: {  	s0 =	sadd.s32 s30, s16;
	[tilespmem:v55+s21+$0x0] =	vst.idx.msk $0xffff, v61;
	v5 =	vadd.f32 v5, v4  }
0x10e: {  	s0 =	sadd.s32 $0x400, s0;
	v4 =	vadd.f32 v57, v4;
	[tilespmem:v58+s21+$0x0] =	vst.idx.msk $0xffff, v63  }
0x10f: {  	s0 =	sshrl.u32 s0, $0x3;
	[tilespmem:v60+s21+$0x0] =	vst.idx.msk $0xffff, v5  }
0x110: {  	s26 =	simm.s32 $0x7640;
	s1 =	sadd.s32 s2, s0;
	[tilespmem:v62+s21+$0x0] =	vst.idx.msk $0xffff, v4  }
0x111: {  	[hbm4b:s1+s3] =	stream.linear.scatter [tilespmem:s26], [sflag:$0x4], $0x80, $0x38;
	[tilespmem:$0x9840] =	vst v63  }
0x112: {  	s28 =	simm.s32 $0x76C8;
	s29 =	sadd.s32 $0x10, s1  }
0x113: {  	[hbm4b:s29+s3] =	stream.linear.scatter [tilespmem:s28], [sflag:$0x4], $0x80, $0x38;
	[tilespmem:$0x9840] =	vst v63  }
0x114: {  	s7 =	simm.s32 $0x77D8;
	s30 =	simm.s32 $0x7750;
	s31 =	sadd.s32 $0x20, s1  }
0x115: {  	[hbm4b:s31+s3] =	stream.linear.scatter [tilespmem:s30], [sflag:$0x4], $0x80, $0x38;
	[tilespmem:$0x9840] =	vst v63  }
0x116: {  	s16 =	simm.s32 $0x7860;
	s0 =	simm.s32 $0x440;
	s13 =	sadd.s32 $0x30, s1  }
0x117: {  	[hbm4b:s13+s3] =	stream.linear.scatter [tilespmem:s7], [sflag:$0x4], $0x80, $0x38;
	[tilespmem:$0x9840] =	vst v63  }
0x118: {  	s5 =	sadd.s32 $0x70, s1;
	s26 =	sadd.s32 $0x40, s1;
	s28 =	simm.s32 $0x78E8  }
0x119: {  	[hbm4b:s26+s3] =	stream.linear.scatter [tilespmem:s16], [sflag:$0x4], $0x80, $0x38;
	[tilespmem:$0x9840] =	vst v63  }
0x11a: {  	s29 =	sadd.s32 $0x50, s1;
	s30 =	simm.s32 $0x7970;
	s31 =	sadd.s32 $0x60, s1  }
0x11b: {  	[hbm4b:s29+s3] =	stream.linear.scatter [tilespmem:s28], [sflag:$0x4], $0x80, $0x38;
	[tilespmem:$0x9840] =	vst v63  }
0x11c: {  	s1 =	sadd.s32 $0x4000, s1;
	s13 =	simm.s32 $0x79F8;
	s16 =	simm.s32 $0x2200  }
0x11d: {  	[hbm4b:s31+s3] =	stream.linear.scatter [tilespmem:s30], [sflag:$0x4], $0x80, $0x38;
	[tilespmem:$0x9840] =	vst v63  }
.LBB2_12:
0x11e: {  	[hbm4b:s5+s3] =	stream.linear.scatter [tilespmem:s13], [sflag:$0x4], $0x80, $0x38;
	[tilespmem:$0x9840] =	vst v63  }
0x11f: {  	s5 =	smov.u32 s0;
	s0 =	smov.u32 s16  }
0x120: {  	s7 =	sadd.s32 $0x1100, s16;
	s0 =	sshra.s32 s0, $0x2;
	s13 =	sadd.s32 $0x7640, s5  }
0x121: {  	[hbm4b:s1+s3] =	stream.linear.scatter [tilespmem:s13], [sflag:$0x4], $0x80, $0x38;
	[tilespmem:$0x9840] =	vst v63  }
0x122: {  	p0 =	sne.s32 s16, $0x7700;
	s16 =	sadd.s32 $0x10, s1;
	s13 =	sadd.s32 $0x76C8, s5  }
0x123: {  	[hbm4b:s16+s3] =	stream.linear.scatter [tilespmem:s13], [sflag:$0x4], $0x80, $0x38;
	[tilespmem:$0x9840] =	vst v63  }
0x124: {  	s13 =	sadd.s32 $0x7750, s5;
	s16 =	sadd.s32 $0x20, s1  }
0x125: {  	[hbm4b:s16+s3] =	stream.linear.scatter [tilespmem:s13], [sflag:$0x4], $0x80, $0x38;
	[tilespmem:$0x9840] =	vst v63  }
0x126: {  	s13 =	sadd.s32 $0x77D8, s5;
	s16 =	sadd.s32 $0x30, s1  }
0x127: {  	[hbm4b:s16+s3] =	stream.linear.scatter [tilespmem:s13], [sflag:$0x4], $0x80, $0x38;
	[tilespmem:$0x9840] =	vst v63  }
0x128: {  	s13 =	sadd.s32 $0x7860, s5;
	s16 =	sadd.s32 $0x40, s1  }
0x129: {  	[hbm4b:s16+s3] =	stream.linear.scatter [tilespmem:s13], [sflag:$0x4], $0x80, $0x38;
	[tilespmem:$0x9840] =	vst v63  }
0x12a: {  	s13 =	sadd.s32 $0x78E8, s5;
	s16 =	sadd.s32 $0x50, s1  }
0x12b: {  	[hbm4b:s16+s3] =	stream.linear.scatter [tilespmem:s13], [sflag:$0x4], $0x80, $0x38;
	[tilespmem:$0x9840] =	vst v63  }
.Ltmp5:
0x12c: {  	_ = 	snop;
	(pc) =	sbr.rel @p0 .LBB2_12-.Ltmp5, $4  }
0x12d: {  	s13 =	sadd.s32 $0x7970, s5;
	s16 =	sadd.s32 $0x60, s1  }
0x12e: {  	[hbm4b:s16+s3] =	stream.linear.scatter [tilespmem:s13], [sflag:$0x4], $0x80, $0x38;
	[tilespmem:$0x9840] =	vst v63  }
0x12f: {  	s13 =	sadd.s32 $0x79F8, s5  }
0x130: {  	s5 =	sadd.s32 $0x70, s1;
	s1 =	sadd.s32 $0x4000, s1;
	s16 =	smov.u32 s7  }
0x131: {  	[hbm4b:s5+s3] =	stream.linear.scatter [tilespmem:s13], [sflag:$0x4], $0x80, $0x38;
	[tilespmem:$0x9840] =	vst v63  }
0x132: {  	s16 =	sadd.s32 $0x7640, s0  }
0x133: {  	[hbm4b:s1+s3] =	stream.linear.scatter [tilespmem:s16], [sflag:$0x4], $0x80, $0x38;
	[tilespmem:$0x9840] =	vst v63  }
0x134: {  	s26 =	sadd.s32 $0x76C8, s0;
	s7 =	sadd.s32 $0x10, s1  }
0x135: {  	[hbm4b:s7+s3] =	stream.linear.scatter [tilespmem:s26], [sflag:$0x4], $0x80, $0x38;
	[tilespmem:$0x9840] =	vst v63  }
0x136: {  	s28 =	sadd.s32 $0x7750, s0;
	s29 =	sadd.s32 $0x20, s1  }
0x137: {  	[hbm4b:s29+s3] =	stream.linear.scatter [tilespmem:s28], [sflag:$0x4], $0x80, $0x38;
	[tilespmem:$0x9840] =	vst v63  }
0x138: {  	s30 =	sadd.s32 $0x77D8, s0;
	s31 =	sadd.s32 $0x30, s1  }
0x139: {  	[hbm4b:s31+s3] =	stream.linear.scatter [tilespmem:s30], [sflag:$0x4], $0x80, $0x38;
	[tilespmem:$0x9840] =	vst v63  }
0x13a: {  	s13 =	sadd.s32 $0x40, s1;
	s25 =	sadd.s32 $0x1, s25;
	s7 =	sadd.s32 $0x7860, s0  }
0x13b: {  	[hbm4b:s13+s3] =	stream.linear.scatter [tilespmem:s7], [sflag:$0x4], $0x80, $0x38;
	[tilespmem:$0x9840] =	vst v63  }
0x13c: {  	p0 =	sne.s32 s25, $0x9A;
	s16 =	sadd.s32 $0x78E8, s0;
	s26 =	sadd.s32 $0x50, s1  }
0x13d: {  	[hbm4b:s26+s3] =	stream.linear.scatter [tilespmem:s16], [sflag:$0x4], $0x80, $0x38;
	[tilespmem:$0x9840] =	vst v63  }
.Ltmp6:
0x13e: {  	_ = 	snop;
	(pc) =	sbr.rel @p0 .LBB2_2-.Ltmp6, $4  }
0x13f: {  	s28 =	sadd.s32 $0x7970, s0;
	s29 =	sadd.s32 $0x60, s1  }
0x140: {  	[hbm4b:s29+s3] =	stream.linear.scatter [tilespmem:s28], [sflag:$0x4], $0x80, $0x38;
	[tilespmem:$0x9840] =	vst v63  }
0x141: {  	s30 =	sadd.s32 $0x79F8, s0;
	s31 =	sadd.s32 $0x70, s1  }
0x142: {  	[hbm4b:s31+s3] =	stream.linear.scatter [tilespmem:s30], [sflag:$0x4], $0x80, $0x38;
	[tilespmem:$0x9840] =	vst v63  }
0x143: {  	s24 =	sadd.s32 $0x1, s24  }
0x144: {  	_ =	swait.ge [sflag:s22], $0x2000;
	p0 =	sne.s32 s24, s11  }
.Ltmp7:
0x145: {  	[sflag:s22] =	ssyncset.done $0x0;
	(pc) =	sbr.rel @p0 .LBB2_1-.Ltmp7, $4  }
0x146: {  	[sflag:s22] =	ssyncadd.s32 $0xFFFFE000  }
0x147: {  	_ =	swait.ge [sflag:s23], $0x2000  }
0x148: {  	[sflag:s23] =	ssyncset.done $0x0  }
0x149: {  	[sflag:s23] =	ssyncadd.s32 $0xFFFFE000  }
0x14a: {  	_ =	sfence.sel $0x180000  }
0x14b: {  	[bflag:$0x0] =	sbarrier.arrive $0xFFFF  }
0x14c: {  	_ =	strace $0x90000047  }
0x14d: {  	s0 =	stileid.u32;
	[bflag:$0x2] =	sbarrier.arrive $0xFFFF  }
0x14e: {  	p0 =	sne.s32 s0, $0x0;
	s0 =	rddreg [dreg:$0x2]  }
0x14f: {  	s0 =	sadd.s32 @!p0 $0x100000, s0  }
0x150: {  	[sflag:s0] =	ssyncadd.tile.s32 @!p0 $0x1;
	_ =	shalt  }
.Lfunc_end2:
_tile_overlayer_lowered:
.L_overlay_start_2:
0x151: {  	(tag) =	ssettag $0x2  }
0x152: {  	s0 =	rddreg [dreg:$0x0];
	s2 =	stileid.u32  }
0x153: {  	s1 =	rddreg [dreg:$0x1];
	p0 =	sne.s32 s2, $0x0  }
0x154: {  	s3 =	rddreg [dreg:$0x2];
	[bflag:$0x3] =	sbarrier.arrive $0xFFFF;
	s2 =	simm.s32 @!p0 $0x1C05  }
0x155: {  	[timem:s3], [sflag:s2] =	dma.local @!p0 [hbm:s0], s1  }
0x156: {  	s0 =	simm.s32 @!p0 $0x5  }
0x157: {  	_ =	swait.ge @!p0 [sflag:s0], s1  }
0x158: {  	s1 =	ssub.s32 @!p0 $0x0, s1;
	[sflag:s0] =	ssyncset.done @!p0 $0x0  }
0x159: {  	[sflag:s0] =	ssyncadd.s32 @!p0 s1  }
0x15a: {  	[bflag:$0x3] =	sbarrier.arrive $0xFFFF  }
0x15b: {  	_ =	shalt  }

</sc_bundles>
